<compile_context>
chip_gen: v7x
topology: tpu7x:2x2x1
jax: 0.10.2.dev20260603
libtpu: 0.0.44.dev20260713+nightly
codegen_flags: <defaults>
</compile_context>

<pallas_src>
import functools

import jax
import jax.numpy as jnp
from jax import lax
from jax.experimental import pallas as pl
from jax.experimental.pallas import tpu as pltpu
from jax.experimental.pallas import tpu_sc as plsc

B = 128
K, H, W = 5, 25, 25
NQ = 4
C = NQ * K
TOT = B * K * H * W

_info = plsc.get_sparse_core_info()
NC, NS, L = _info.num_cores, _info.num_subcores, _info.num_lanes
NW = NC * NS
ITERS = -(-(TOT // NW) // L)
PERW = ITERS * L
LASTBASE = TOT - PERW
LASTLO = (NW - 1) * PERW - LASTBASE


def _cls_sc_kernel(label_hbm, pred_hbm, out_hbm, lab_v, pred_v, res_v):
    wid = lax.axis_index("s") * NC + lax.axis_index("c")
    base = jnp.minimum(wid * PERW, LASTBASE)
    lo = jnp.where(wid == NW - 1, LASTLO, 0)
    pltpu.sync_copy(label_hbm.at[pl.ds(base, PERW)], lab_v)
    pltpu.sync_copy(pred_hbm.at[pl.ds(2 * base, 2 * PERW)], pred_v)

    zero = jnp.zeros((L,), jnp.float32)

    def body(i, carry):
        sp, sn, cp = carry
        off = i * L + lax.iota(jnp.int32, L)
        lab = lab_v[pl.ds(i * L, L)]
        idx = jnp.minimum(2 * off + lab, 2 * PERW - 1)
        sel = plsc.load_gather(pred_v, [idx])
        valid = off >= lo
        pos = valid & (lab == 1)
        neg = valid & (lab == 0)
        sp = sp + jnp.where(pos, sel, 0.0)
        sn = sn + jnp.where(neg, sel, 0.0)
        cp = cp + jnp.where(pos, 1.0, 0.0)
        return sp, sn, cp

    sp, sn, cp = lax.fori_loop(0, ITERS, body, (zero, zero, zero))
    res_v[pl.ds(0, L)] = sp
    res_v[pl.ds(L, L)] = sn
    res_v[pl.ds(2 * L, L)] = cp
    pltpu.sync_copy(res_v, out_hbm.at[pl.ds(wid * 3 * L, 3 * L)])


_cls_sc = functools.partial(
    pl.kernel,
    _cls_sc_kernel,
    out_type=jax.ShapeDtypeStruct((NW * 3 * L,), jnp.float32),
    mesh=plsc.VectorSubcoreMesh(core_axis_name="c", subcore_axis_name="s"),
    compiler_params=pltpu.CompilerParams(needs_layout_passes=False),
    scratch_types=[
        pltpu.VMEM((PERW,), jnp.int32),
        pltpu.VMEM((2 * PERW,), jnp.float32),
        pltpu.VMEM((3 * L,), jnp.float32),
    ],
)


def _loc_kernel(ploc_ref, lloc_ref, w_ref, out_ref, plocx, llocx, sem):
    copies = []
    for c in range(C):
        q, kk = divmod(c, K)
        cp = pltpu.make_async_copy(ploc_ref.at[:, :, c, :], plocx.at[c], sem)
        cl = pltpu.make_async_copy(lloc_ref.at[kk, :, :, q, :], llocx.at[c],
                                   sem)
        cp.start()
        cl.start()
        copies.append(cp)
        copies.append(cl)
    for cp in copies:
        cp.wait()

    wv = w_ref[...]
    acc = jnp.zeros((H, W, B), jnp.float32)
    for c in range(C):
        acc = acc + jnp.abs(plocx[c] - llocx[c]) * wv[c % K]
    out_ref[0, 0] = jnp.sum(acc)


def kernel(label_cls, label_loc, label_loc_weight, rpn_pred_cls, rpn_pred_loc):
    label_f = label_cls.reshape(TOT)
    pred_f = rpn_pred_cls.reshape(2 * TOT)
    parts = _cls_sc()(label_f, pred_f)

    ploc = jnp.transpose(rpn_pred_loc, (2, 3, 1, 0))
    lloc = jnp.transpose(label_loc, (2, 3, 4, 1, 0))
    w = jnp.transpose(label_loc_weight, (1, 2, 3, 0))
    loc = pl.pallas_call(
        _loc_kernel,
        in_specs=[
            pl.BlockSpec(memory_space=pltpu.HBM),
            pl.BlockSpec(memory_space=pltpu.HBM),
            pl.BlockSpec((K, H, W, B), lambda: (0, 0, 0, 0)),
        ],
        out_specs=pl.BlockSpec(memory_space=pltpu.SMEM),
        out_shape=jax.ShapeDtypeStruct((1, 1), jnp.float32),
        scratch_shapes=[
            pltpu.VMEM((C, H, W, B), jnp.float32),
            pltpu.VMEM((C, H, W, B), jnp.float32),
            pltpu.SemaphoreType.DMA,
        ],
    )(ploc, lloc, w)[0, 0]

    sums = parts.reshape(NW, 3, L).sum(axis=(0, 2))
    cnt_pos = sums[2]
    cnt_neg = TOT - cnt_pos
    loss_pos = -sums[0] / jnp.maximum(cnt_pos, 1.0)
    loss_neg = -sums[1] / jnp.maximum(cnt_neg, 1.0)
    return 0.5 * loss_pos + 0.5 * loss_neg + 1.2 * (loc / B)

# --- scband reference (transcript-rebuilt; emitter-appended) ---
"""Pipeline reference for scband-siam-mask-16544214024913 (READ-ONLY COPY).

The authoritative reference and input builder live on the scoring server;
editing this copy changes nothing except your own understanding.
"""

import jax, jax.numpy as jnp
import numpy as np


def setup_inputs(seed: int = 0) -> dict:
    key = jax.random.key(seed)
    ks = jax.random.split(key, 5)
    b, k, h, w = 128, 5, 25, 25
    # label_cls in {0,1}: 1 = positive anchor, 0 = negative anchor
    label_cls = jax.random.randint(ks[0], (b, k, h, w), 0, 2)
    label_loc = jax.random.normal(ks[1], (b, 4, k, h, w), dtype=jnp.float32)
    label_loc_weight = jax.random.uniform(ks[2], (b, k, h, w), dtype=jnp.float32)
    rpn_pred_cls = jax.random.normal(ks[3], (b, 2 * k, h, w), dtype=jnp.float32)
    rpn_pred_loc = jax.random.normal(ks[4], (b, 4 * k, h, w), dtype=jnp.float32)
    return {
        "label_cls": label_cls,
        "label_loc": label_loc,
        "label_loc_weight": label_loc_weight,
        "rpn_pred_cls": rpn_pred_cls,
        "rpn_pred_loc": rpn_pred_loc,
    }


def _select_cross_entropy_loss(pred_cls, label_cls):
    # pred viewed as [-1, 2] log-probabilities, label viewed as [-1]
    pred = pred_cls.reshape(-1, 2)
    label = label_cls.reshape(-1)
    idx = jnp.clip(label, 0, 1)
    logp = jnp.take_along_axis(pred, idx[:, None], axis=1)[:, 0]
    pos = (label == 1).astype(pred.dtype)
    neg = (label == 0).astype(pred.dtype)
    # nll_loss with mean reduction over the selected (pos / neg) indices
    loss_pos = -(logp * pos).sum() / jnp.maximum(pos.sum(), 1.0)
    loss_neg = -(logp * neg).sum() / jnp.maximum(neg.sum(), 1.0)
    return loss_pos * 0.5 + loss_neg * 0.5


def _weight_l1_loss(pred_loc, label_loc, loss_weight):
    b = pred_loc.shape[0]
    sh, sw = pred_loc.shape[2], pred_loc.shape[3]
    pl = pred_loc.reshape(b, 4, -1, sh, sw)
    diff = jnp.abs(pl - label_loc)
    diff = diff.sum(axis=1).reshape(b, -1, sh, sw)
    loss = diff * loss_weight
    return loss.sum() / b


def reference(label_cls, label_loc, label_loc_weight, rpn_pred_cls, rpn_pred_loc):
    rpn_loss_cls = _select_cross_entropy_loss(rpn_pred_cls, label_cls)
    rpn_loss_loc = _weight_l1_loss(rpn_pred_loc, label_loc, label_loc_weight)
    # SiamMask combines rpn losses with cls_weight=1.0, loc_weight=1.2
    return rpn_loss_cls + 1.2 * rpn_loss_loc

if __name__ == "__main__":
    import jax
    _d = setup_inputs()
    print(jax.jit(kernel)(*tuple(_d.values())))

</pallas_src>

<mosaic_0001>
#map = affine_map<(d0, d1) -> (0)>
module attributes {stable_mosaic.version = 14 : i64} {
  func.func @_cls_sc_kernel(%arg0: i32, %arg1: i32, %arg2: memref<400000xi32, #tpu.memory_space<hbm>>, %arg3: memref<800000xf32, #tpu.memory_space<hbm>>, %arg4: memref<1536xf32, #tpu.memory_space<hbm>>, %arg5: memref<12512xi32, #tpu.memory_space<vmem>>, %arg6: memref<25024xf32, #tpu.memory_space<vmem>>, %arg7: memref<48xf32, #tpu.memory_space<vmem>>) attributes {dimension_semantics = [#tpu.dimension_semantics<core_parallel>, #tpu.dimension_semantics<subcore_parallel>], iteration_bounds = array<i64: 2, 16>, scalar_prefetch = 0 : i64, scratch_operands = 3 : i64, tpu.core_type = #tpu.core_type<sc_vector_subcore>, window_params = [{transform_indices = #map}, {transform_indices = #map}, {transform_indices = #map}]} {
    %mul3A = arith.constant 2 : i32
    %mul3A_0 = arith.muli %arg1, %mul3A : i32
    %add3A = arith.addi %mul3A_0, %arg0 : i32
    %mul3A_1 = arith.constant 12512 : i32
    %mul3A_2 = arith.muli %add3A, %mul3A_1 : i32
    %min3A = arith.constant 387488 : i32
    %min3A_3 = arith.minsi %mul3A_2, %min3A : i32
    %eq3A = arith.constant 31 : i32
    %eq3A_4 = arith.cmpi eq, %add3A, %eq3A : i32
    %jit3A = arith.constant 384 : i32
    %jit3A_5 = arith.constant 0 : i32
    %select_n3A = arith.select %eq3A_4, %jit3A, %jit3A_5 : i32
    "tpu.region"() ({
      %run_scoped3A = tpu.sem_alloc : memref<!tpu.dma_semaphore, #tpu.memory_space<semaphore_mem>>
      %dma_start3A = tpu.memref_slice %arg2[%min3A_3] : memref<400000xi32, #tpu.memory_space<hbm>> -> memref<12512xi32, #tpu.memory_space<hbm>>
      %dma_start3A_23 = tpu.memref_slice %arg2[%min3A_3] : memref<400000xi32, #tpu.memory_space<hbm>> -> memref<12512xi32, #tpu.memory_space<hbm>>
      tpu.enqueue_dma source(%dma_start3A_23 : memref<12512xi32, #tpu.memory_space<hbm>>) target(%arg5 : memref<12512xi32, #tpu.memory_space<vmem>>) target_semaphore(%run_scoped3A : memref<!tpu.dma_semaphore, #tpu.memory_space<semaphore_mem>>)
      %dma_wait3A = tpu.memref_slice %arg2[%min3A_3] : memref<400000xi32, #tpu.memory_space<hbm>> -> memref<12512xi32, #tpu.memory_space<hbm>>
      %dma_wait3A_24 = tpu.memref_slice %arg2[%min3A_3] : memref<400000xi32, #tpu.memory_space<hbm>> -> memref<12512xi32, #tpu.memory_space<hbm>>
      tpu.wait_dma2 semaphore(%run_scoped3A : memref<!tpu.dma_semaphore, #tpu.memory_space<semaphore_mem>>) src(%dma_wait3A_24 : memref<12512xi32, #tpu.memory_space<hbm>>) dst(%arg5 : memref<12512xi32, #tpu.memory_space<vmem>>)
      tpu.yield
    }) : () -> ()
    %mul3A_6 = arith.constant 2 : i32
    %mul3A_7 = arith.muli %mul3A_6, %min3A_3 : i32
    "tpu.region"() ({
      %run_scoped3A = tpu.sem_alloc : memref<!tpu.dma_semaphore, #tpu.memory_space<semaphore_mem>>
      %dma_start3A = tpu.memref_slice %arg3[%mul3A_7] : memref<800000xf32, #tpu.memory_space<hbm>> -> memref<25024xf32, #tpu.memory_space<hbm>>
      %dma_start3A_23 = tpu.memref_slice %arg3[%mul3A_7] : memref<800000xf32, #tpu.memory_space<hbm>> -> memref<25024xf32, #tpu.memory_space<hbm>>
      tpu.enqueue_dma source(%dma_start3A_23 : memref<25024xf32, #tpu.memory_space<hbm>>) target(%arg6 : memref<25024xf32, #tpu.memory_space<vmem>>) target_semaphore(%run_scoped3A : memref<!tpu.dma_semaphore, #tpu.memory_space<semaphore_mem>>)
      %dma_wait3A = tpu.memref_slice %arg3[%mul3A_7] : memref<800000xf32, #tpu.memory_space<hbm>> -> memref<25024xf32, #tpu.memory_space<hbm>>
      %dma_wait3A_24 = tpu.memref_slice %arg3[%mul3A_7] : memref<800000xf32, #tpu.memory_space<hbm>> -> memref<25024xf32, #tpu.memory_space<hbm>>
      tpu.wait_dma2 semaphore(%run_scoped3A : memref<!tpu.dma_semaphore, #tpu.memory_space<semaphore_mem>>) src(%dma_wait3A_24 : memref<25024xf32, #tpu.memory_space<hbm>>) dst(%arg6 : memref<25024xf32, #tpu.memory_space<vmem>>)
      tpu.yield
    }) : () -> ()
    %broadcast_in_dim3A = arith.constant 0.000000e+00 : f32
    %broadcast_in_dim3A_8 = vector.broadcast %broadcast_in_dim3A : f32 to vector<16xf32>
    %scan3A = arith.constant 0 : i32
    %scan3A_9 = arith.constant 782 : i32
    %scan3A_10 = arith.addi %scan3A, %scan3A_9 : i32
    %scan3A_11 = arith.constant 1 : i32
    %scan3A_12:3 = scf.for %scan3A_23 = %scan3A to %scan3A_10 step %scan3A_11 iter_args(%scan3A_24 = %broadcast_in_dim3A_8, %scan3A_25 = %broadcast_in_dim3A_8, %scan3A_26 = %broadcast_in_dim3A_8) -> (vector<16xf32>, vector<16xf32>, vector<16xf32>)  : i32 {
      %mul3A_27 = arith.constant 16 : i32
      %mul3A_28 = arith.muli %scan3A_23, %mul3A_27 : i32
      %iota3A = tpu.iota {dimensions = array<i32: 0>} : vector<16xi32>
      %add3A_29 = vector.broadcast %mul3A_28 : i32 to vector<16xi32>
      %add3A_30 = arith.addi %add3A_29, %iota3A : vector<16xi32>
      %mul3A_31 = arith.constant 16 : i32
      %mul3A_32 = arith.muli %scan3A_23, %mul3A_31 : i32
      %get3A = arith.index_cast %mul3A_32 : i32 to index
      %get3A_33 = tpu.vector_load %arg5[%get3A] {strides = array<i32>} : memref<12512xi32, #tpu.memory_space<vmem>>, vector<16xi32>,
      %mul3A_34 = arith.constant 2 : i32
      %mul3A_35 = vector.broadcast %mul3A_34 : i32 to vector<16xi32>
      %mul3A_36 = arith.muli %mul3A_35, %add3A_30 : vector<16xi32>
      %add3A_37 = arith.addi %mul3A_36, %get3A_33 : vector<16xi32>
      %min3A_38 = arith.constant 25023 : i32
      %min3A_39 = vector.broadcast %min3A_38 : i32 to vector<16xi32>
      %min3A_40 = arith.minsi %add3A_37, %min3A_39 : vector<16xi32>
      %gather3A = tpu.vector_load_idx %arg6[%min3A_40] : memref<25024xf32, #tpu.memory_space<vmem>>[vector<16xi32>], vector<16xf32>,
      %ge3A = vector.broadcast %select_n3A : i32 to vector<16xi32>
      %ge3A_41 = arith.cmpi sge, %add3A_30, %ge3A : vector<16xi32>
      %eq3A_42 = arith.constant 1 : i32
      %eq3A_43 = vector.broadcast %eq3A_42 : i32 to vector<16xi32>
      %eq3A_44 = arith.cmpi eq, %get3A_33, %eq3A_43 : vector<16xi32>
      %and3A = arith.andi %ge3A_41, %eq3A_44 : vector<16xi1>
      %eq3A_45 = arith.constant 0 : i32
      %eq3A_46 = vector.broadcast %eq3A_45 : i32 to vector<16xi32>
      %eq3A_47 = arith.cmpi eq, %get3A_33, %eq3A_46 : vector<16xi32>
      %and3A_48 = arith.andi %ge3A_41, %eq3A_47 : vector<16xi1>
      %jit3A_49 = arith.constant 0.000000e+00 : f32
      %broadcast_in_dim3A_50 = vector.broadcast %jit3A_49 : f32 to vector<16xf32>
      %select_n3A_51 = arith.select %and3A, %gather3A, %broadcast_in_dim3A_50 : vector<16xi1>, vector<16xf32>
      %add3A_52 = arith.addf %scan3A_24, %select_n3A_51 : vector<16xf32>
      %jit3A_53 = arith.constant 0.000000e+00 : f32
      %broadcast_in_dim3A_54 = vector.broadcast %jit3A_53 : f32 to vector<16xf32>
      %select_n3A_55 = arith.select %and3A_48, %gather3A, %broadcast_in_dim3A_54 : vector<16xi1>, vector<16xf32>
      %add3A_56 = arith.addf %scan3A_25, %select_n3A_55 : vector<16xf32>
      %jit3A_57 = arith.constant 1.000000e+00 : f32
      %jit3A_58 = arith.constant 0.000000e+00 : f32
      %broadcast_in_dim3A_59 = vector.broadcast %jit3A_57 : f32 to vector<16xf32>
      %broadcast_in_dim3A_60 = vector.broadcast %jit3A_58 : f32 to vector<16xf32>
      %select_n3A_61 = arith.select %and3A, %broadcast_in_dim3A_59, %broadcast_in_dim3A_60 : vector<16xi1>, vector<16xf32>
      %add3A_62 = arith.addf %scan3A_26, %select_n3A_61 : vector<16xf32>
      scf.yield %add3A_52, %add3A_56, %add3A_62 : vector<16xf32>, vector<16xf32>, vector<16xf32>
    }
    %scan3A_13 = arith.constant 782 : i32
    %swap3A = arith.constant 0 : index
    %swap3A_14 = tpu.vector_load %arg7[%swap3A] {strides = array<i32>} : memref<48xf32, #tpu.memory_space<vmem>>, vector<16xf32>,
    tpu.vector_store %arg7[%swap3A], %scan3A_12#0 {strides = array<i32>} : memref<48xf32, #tpu.memory_space<vmem>>, vector<16xf32>,
    %swap3A_15 = arith.constant 16 : index
    %swap3A_16 = tpu.vector_load %arg7[%swap3A_15] {strides = array<i32>} : memref<48xf32, #tpu.memory_space<vmem>>, vector<16xf32>,
    tpu.vector_store %arg7[%swap3A_15], %scan3A_12#1 {strides = array<i32>} : memref<48xf32, #tpu.memory_space<vmem>>, vector<16xf32>,
    %swap3A_17 = arith.constant 32 : index
    %swap3A_18 = tpu.vector_load %arg7[%swap3A_17] {strides = array<i32>} : memref<48xf32, #tpu.memory_space<vmem>>, vector<16xf32>,
    tpu.vector_store %arg7[%swap3A_17], %scan3A_12#2 {strides = array<i32>} : memref<48xf32, #tpu.memory_space<vmem>>, vector<16xf32>,
    %mul3A_19 = arith.constant 3 : i32
    %mul3A_20 = arith.muli %add3A, %mul3A_19 : i32
    %mul3A_21 = arith.constant 16 : i32
    %mul3A_22 = arith.muli %mul3A_20, %mul3A_21 : i32
    "tpu.region"() ({
      %run_scoped3A = tpu.sem_alloc : memref<!tpu.dma_semaphore, #tpu.memory_space<semaphore_mem>>
      %dma_start3A = tpu.memref_slice %arg4[%mul3A_22] : memref<1536xf32, #tpu.memory_space<hbm>> -> memref<48xf32, #tpu.memory_space<hbm>>
      %dma_start3A_23 = tpu.memref_slice %arg4[%mul3A_22] : memref<1536xf32, #tpu.memory_space<hbm>> -> memref<48xf32, #tpu.memory_space<hbm>>
      tpu.enqueue_dma source(%arg7 : memref<48xf32, #tpu.memory_space<vmem>>) target(%dma_start3A_23 : memref<48xf32, #tpu.memory_space<hbm>>) target_semaphore(%run_scoped3A : memref<!tpu.dma_semaphore, #tpu.memory_space<semaphore_mem>>)
      %dma_wait3A = tpu.memref_slice %arg4[%mul3A_22] : memref<1536xf32, #tpu.memory_space<hbm>> -> memref<48xf32, #tpu.memory_space<hbm>>
      %dma_wait3A_24 = tpu.memref_slice %arg4[%mul3A_22] : memref<1536xf32, #tpu.memory_space<hbm>> -> memref<48xf32, #tpu.memory_space<hbm>>
      tpu.wait_dma2 semaphore(%run_scoped3A : memref<!tpu.dma_semaphore, #tpu.memory_space<semaphore_mem>>) src(%arg7 : memref<48xf32, #tpu.memory_space<vmem>>) dst(%dma_wait3A_24 : memref<48xf32, #tpu.memory_space<hbm>>)
      tpu.yield
    }) : () -> ()
    return
  }
}

module attributes {stable_mosaic.version = 14 : i64} {
  func.func @_loc_kernel(%arg0: memref<25x25x20x128xf32, #tpu.memory_space<hbm>>, %arg1: memref<5x25x25x4x128xf32, #tpu.memory_space<hbm>>, %arg2: memref<5x25x25x128xf32, #tpu.memory_space<vmem>>, %arg3: memref<1x1xf32, #tpu.memory_space<smem>>, %arg4: memref<20x25x25x128xf32, #tpu.memory_space<vmem>>, %arg5: memref<20x25x25x128xf32, #tpu.memory_space<vmem>>, %arg6: memref<!tpu.dma_semaphore, #tpu.memory_space<semaphore_mem>>) attributes {dimension_semantics = [], scalar_prefetch = 0 : i64, scratch_operands = 3 : i64, tpu.core_type = #tpu.core_type<tc>} {
    %dma_start3A = arith.constant 0 : i32
    %dma_start3A_0 = arith.constant 0 : i32
    %dma_start3A_1 = arith.constant 0 : i32
    %dma_start3A_2 = arith.constant 0 : i32
    %dma_start3A_3 = arith.constant 0 : i32
    %dma_start3A_4 = tpu.memref_slice %arg4[%dma_start3A_0, %dma_start3A_1, %dma_start3A_2, %dma_start3A_3] : memref<20x25x25x128xf32, #tpu.memory_space<vmem>> -> memref<1x25x25x128xf32, #tpu.memory_space<vmem>>
    %dma_start3A_5 = tpu.memref_squeeze %dma_start3A_4 : memref<1x25x25x128xf32, #tpu.memory_space<vmem>> -> memref<25x25x128xf32, #tpu.memory_space<vmem>>
    %dma_start3A_6 = arith.constant 0 : i32
    %dma_start3A_7 = arith.constant 0 : i32
    %dma_start3A_8 = arith.constant 0 : i32
    %dma_start3A_9 = tpu.memref_slice %arg0[%dma_start3A_6, %dma_start3A_7, %dma_start3A, %dma_start3A_8] : memref<25x25x20x128xf32, #tpu.memory_space<hbm>> -> memref<25x25x1x128xf32, #tpu.memory_space<hbm>>
    %dma_start3A_10 = tpu.memref_squeeze %dma_start3A_9 : memref<25x25x1x128xf32, #tpu.memory_space<hbm>> -> memref<25x25x128xf32, #tpu.memory_space<hbm>>
    tpu.enqueue_dma source(%dma_start3A_10 : memref<25x25x128xf32, #tpu.memory_space<hbm>>) target(%dma_start3A_5 : memref<25x25x128xf32, #tpu.memory_space<vmem>>) target_semaphore(%arg6 : memref<!tpu.dma_semaphore, #tpu.memory_space<semaphore_mem>>)
    %dma_start3A_11 = arith.constant 0 : i32
    %dma_start3A_12 = arith.constant 0 : i32
    %dma_start3A_13 = arith.constant 0 : i32
    %dma_start3A_14 = arith.constant 0 : i32
    %dma_start3A_15 = arith.constant 0 : i32
    %dma_start3A_16 = arith.constant 0 : i32
    %dma_start3A_17 = tpu.memref_slice %arg5[%dma_start3A_13, %dma_start3A_14, %dma_start3A_15, %dma_start3A_16] : memref<20x25x25x128xf32, #tpu.memory_space<vmem>> -> memref<1x25x25x128xf32, #tpu.memory_space<vmem>>
    %dma_start3A_18 = tpu.memref_squeeze %dma_start3A_17 : memref<1x25x25x128xf32, #tpu.memory_space<vmem>> -> memref<25x25x128xf32, #tpu.memory_space<vmem>>
    %dma_start3A_19 = arith.constant 0 : i32
    %dma_start3A_20 = arith.constant 0 : i32
    %dma_start3A_21 = arith.constant 0 : i32
    %dma_start3A_22 = tpu.memref_slice %arg1[%dma_start3A_11, %dma_start3A_19, %dma_start3A_20, %dma_start3A_12, %dma_start3A_21] : memref<5x25x25x4x128xf32, #tpu.memory_space<hbm>> -> memref<1x25x25x1x128xf32, #tpu.memory_space<hbm>>
    %dma_start3A_23 = tpu.memref_squeeze %dma_start3A_22 : memref<1x25x25x1x128xf32, #tpu.memory_space<hbm>> -> memref<25x25x128xf32, #tpu.memory_space<hbm>>
    tpu.enqueue_dma source(%dma_start3A_23 : memref<25x25x128xf32, #tpu.memory_space<hbm>>) target(%dma_start3A_18 : memref<25x25x128xf32, #tpu.memory_space<vmem>>) target_semaphore(%arg6 : memref<!tpu.dma_semaphore, #tpu.memory_space<semaphore_mem>>)
    %dma_start3A_24 = arith.constant 1 : i32
    %dma_start3A_25 = arith.constant 1 : i32
    %dma_start3A_26 = arith.constant 0 : i32
    %dma_start3A_27 = arith.constant 0 : i32
    %dma_start3A_28 = arith.constant 0 : i32
    %dma_start3A_29 = tpu.memref_slice %arg4[%dma_start3A_25, %dma_start3A_26, %dma_start3A_27, %dma_start3A_28] : memref<20x25x25x128xf32, #tpu.memory_space<vmem>> -> memref<1x25x25x128xf32, #tpu.memory_space<vmem>>
    %dma_start3A_30 = tpu.memref_squeeze %dma_start3A_29 : memref<1x25x25x128xf32, #tpu.memory_space<vmem>> -> memref<25x25x128xf32, #tpu.memory_space<vmem>>
    %dma_start3A_31 = arith.constant 0 : i32
    %dma_start3A_32 = arith.constant 0 : i32
    %dma_start3A_33 = arith.constant 0 : i32
    %dma_start3A_34 = tpu.memref_slice %arg0[%dma_start3A_31, %dma_start3A_32, %dma_start3A_24, %dma_start3A_33] : memref<25x25x20x128xf32, #tpu.memory_space<hbm>> -> memref<25x25x1x128xf32, #tpu.memory_space<hbm>>
    %dma_start3A_35 = tpu.memref_squeeze %dma_start3A_34 : memref<25x25x1x128xf32, #tpu.memory_space<hbm>> -> memref<25x25x128xf32, #tpu.memory_space<hbm>>
    tpu.enqueue_dma source(%dma_start3A_35 : memref<25x25x128xf32, #tpu.memory_space<hbm>>) target(%dma_start3A_30 : memref<25x25x128xf32, #tpu.memory_space<vmem>>) target_semaphore(%arg6 : memref<!tpu.dma_semaphore, #tpu.memory_space<semaphore_mem>>)
    %dma_start3A_36 = arith.constant 1 : i32
    %dma_start3A_37 = arith.constant 0 : i32
    %dma_start3A_38 = arith.constant 1 : i32
    %dma_start3A_39 = arith.constant 0 : i32
    %dma_start3A_40 = arith.constant 0 : i32
    %dma_start3A_41 = arith.constant 0 : i32
    %dma_start3A_42 = tpu.memref_slice %arg5[%dma_start3A_38, %dma_start3A_39, %dma_start3A_40, %dma_start3A_41] : memref<20x25x25x128xf32, #tpu.memory_space<vmem>> -> memref<1x25x25x128xf32, #tpu.memory_space<vmem>>
    %dma_start3A_43 = tpu.memref_squeeze %dma_start3A_42 : memref<1x25x25x128xf32, #tpu.memory_space<vmem>> -> memref<25x25x128xf32, #tpu.memory_space<vmem>>
    %dma_start3A_44 = arith.constant 0 : i32
    %dma_start3A_45 = arith.constant 0 : i32
    %dma_start3A_46 = arith.constant 0 : i32
    %dma_start3A_47 = tpu.memref_slice %arg1[%dma_start3A_36, %dma_start3A_44, %dma_start3A_45, %dma_start3A_37, %dma_start3A_46] : memref<5x25x25x4x128xf32, #tpu.memory_space<hbm>> -> memref<1x25x25x1x128xf32, #tpu.memory_space<hbm>>
    %dma_start3A_48 = tpu.memref_squeeze %dma_start3A_47 : memref<1x25x25x1x128xf32, #tpu.memory_space<hbm>> -> memref<25x25x128xf32, #tpu.memory_space<hbm>>
    tpu.enqueue_dma source(%dma_start3A_48 : memref<25x25x128xf32, #tpu.memory_space<hbm>>) target(%dma_start3A_43 : memref<25x25x128xf32, #tpu.memory_space<vmem>>) target_semaphore(%arg6 : memref<!tpu.dma_semaphore, #tpu.memory_space<semaphore_mem>>)
    %dma_start3A_49 = arith.constant 2 : i32
    %dma_start3A_50 = arith.constant 2 : i32
    %dma_start3A_51 = arith.constant 0 : i32
    %dma_start3A_52 = arith.constant 0 : i32
    %dma_start3A_53 = arith.constant 0 : i32
    %dma_start3A_54 = tpu.memref_slice %arg4[%dma_start3A_50, %dma_start3A_51, %dma_start3A_52, %dma_start3A_53] : memref<20x25x25x128xf32, #tpu.memory_space<vmem>> -> memref<1x25x25x128xf32, #tpu.memory_space<vmem>>
    %dma_start3A_55 = tpu.memref_squeeze %dma_start3A_54 : memref<1x25x25x128xf32, #tpu.memory_space<vmem>> -> memref<25x25x128xf32, #tpu.memory_space<vmem>>
    %dma_start3A_56 = arith.constant 0 : i32
    %dma_start3A_57 = arith.constant 0 : i32
    %dma_start3A_58 = arith.constant 0 : i32
    %dma_start3A_59 = tpu.memref_slice %arg0[%dma_start3A_56, %dma_start3A_57, %dma_start3A_49, %dma_start3A_58] : memref<25x25x20x128xf32, #tpu.memory_space<hbm>> -> memref<25x25x1x128xf32, #tpu.memory_space<hbm>>
    %dma_start3A_60 = tpu.memref_squeeze %dma_start3A_59 : memref<25x25x1x128xf32, #tpu.memory_space<hbm>> -> memref<25x25x128xf32, #tpu.memory_space<hbm>>
    tpu.enqueue_dma source(%dma_start3A_60 : memref<25x25x128xf32, #tpu.memory_space<hbm>>) target(%dma_start3A_55 : memref<25x25x128xf32, #tpu.memory_space<vmem>>) target_semaphore(%arg6 : memref<!tpu.dma_semaphore, #tpu.memory_space<semaphore_mem>>)
    %dma_start3A_61 = arith.constant 2 : i32
    %dma_start3A_62 = arith.constant 0 : i32
    %dma_start3A_63 = arith.constant 2 : i32
    %dma_start3A_64 = arith.constant 0 : i32
    %dma_start3A_65 = arith.constant 0 : i32
    %dma_start3A_66 = arith.constant 0 : i32
    %dma_start3A_67 = tpu.memref_slice %arg5[%dma_start3A_63, %dma_start3A_64, %dma_start3A_65, %dma_start3A_66] : memref<20x25x25x128xf32, #tpu.memory_space<vmem>> -> memref<1x25x25x128xf32, #tpu.memory_space<vmem>>
    %dma_start3A_68 = tpu.memref_squeeze %dma_start3A_67 : memref<1x25x25x128xf32, #tpu.memory_space<vmem>> -> memref<25x25x128xf32, #tpu.memory_space<vmem>>
    %dma_start3A_69 = arith.constant 0 : i32
    %dma_start3A_70 = arith.constant 0 : i32
    %dma_start3A_71 = arith.constant 0 : i32
    %dma_start3A_72 = tpu.memref_slice %arg1[%dma_start3A_61, %dma_start3A_69, %dma_start3A_70, %dma_start3A_62, %dma_start3A_71] : memref<5x25x25x4x128xf32, #tpu.memory_space<hbm>> -> memref<1x25x25x1x128xf32, #tpu.memory_space<hbm>>
    %dma_start3A_73 = tpu.memref_squeeze %dma_start3A_72 : memref<1x25x25x1x128xf32, #tpu.memory_space<hbm>> -> memref<25x25x128xf32, #tpu.memory_space<hbm>>
    tpu.enqueue_dma source(%dma_start3A_73 : memref<25x25x128xf32, #tpu.memory_space<hbm>>) target(%dma_start3A_68 : memref<25x25x128xf32, #tpu.memory_space<vmem>>) target_semaphore(%arg6 : memref<!tpu.dma_semaphore, #tpu.memory_space<semaphore_mem>>)
    %dma_start3A_74 = arith.constant 3 : i32
    %dma_start3A_75 = arith.constant 3 : i32
    %dma_start3A_76 = arith.constant 0 : i32
    %dma_start3A_77 = arith.constant 0 : i32
    %dma_start3A_78 = arith.constant 0 : i32
    %dma_start3A_79 = tpu.memref_slice %arg4[%dma_start3A_75, %dma_start3A_76, %dma_start3A_77, %dma_start3A_78] : memref<20x25x25x128xf32, #tpu.memory_space<vmem>> -> memref<1x25x25x128xf32, #tpu.memory_space<vmem>>
    %dma_start3A_80 = tpu.memref_squeeze %dma_start3A_79 : memref<1x25x25x128xf32, #tpu.memory_space<vmem>> -> memref<25x25x128xf32, #tpu.memory_space<vmem>>
    %dma_start3A_81 = arith.constant 0 : i32
    %dma_start3A_82 = arith.constant 0 : i32
    %dma_start3A_83 = arith.constant 0 : i32
    %dma_start3A_84 = tpu.memref_slice %arg0[%dma_start3A_81, %dma_start3A_82, %dma_start3A_74, %dma_start3A_83] : memref<25x25x20x128xf32, #tpu.memory_space<hbm>> -> memref<25x25x1x128xf32, #tpu.memory_space<hbm>>
    %dma_start3A_85 = tpu.memref_squeeze %dma_start3A_84 : memref<25x25x1x128xf32, #tpu.memory_space<hbm>> -> memref<25x25x128xf32, #tpu.memory_space<hbm>>
    tpu.enqueue_dma source(%dma_start3A_85 : memref<25x25x128xf32, #tpu.memory_space<hbm>>) target(%dma_start3A_80 : memref<25x25x128xf32, #tpu.memory_space<vmem>>) target_semaphore(%arg6 : memref<!tpu.dma_semaphore, #tpu.memory_space<semaphore_mem>>)
    %dma_start3A_86 = arith.constant 3 : i32
    %dma_start3A_87 = arith.constant 0 : i32
    %dma_start3A_88 = arith.constant 3 : i32
    %dma_start3A_89 = arith.constant 0 : i32
    %dma_start3A_90 = arith.constant 0 : i32
    %dma_start3A_91 = arith.constant 0 : i32
    %dma_start3A_92 = tpu.memref_slice %arg5[%dma_start3A_88, %dma_start3A_89, %dma_start3A_90, %dma_start3A_91] : memref<20x25x25x128xf32, #tpu.memory_space<vmem>> -> memref<1x25x25x128xf32, #tpu.memory_space<vmem>>
    %dma_start3A_93 = tpu.memref_squeeze %dma_start3A_92 : memref<1x25x25x128xf32, #tpu.memory_space<vmem>> -> memref<25x25x128xf32, #tpu.memory_space<vmem>>
    %dma_start3A_94 = arith.constant 0 : i32
    %dma_start3A_95 = arith.constant 0 : i32
    %dma_start3A_96 = arith.constant 0 : i32
    %dma_start3A_97 = tpu.memref_slice %arg1[%dma_start3A_86, %dma_start3A_94, %dma_start3A_95, %dma_start3A_87, %dma_start3A_96] : memref<5x25x25x4x128xf32, #tpu.memory_space<hbm>> -> memref<1x25x25x1x128xf32, #tpu.memory_space<hbm>>
    %dma_start3A_98 = tpu.memref_squeeze %dma_start3A_97 : memref<1x25x25x1x128xf32, #tpu.memory_space<hbm>> -> memref<25x25x128xf32, #tpu.memory_space<hbm>>
    tpu.enqueue_dma source(%dma_start3A_98 : memref<25x25x128xf32, #tpu.memory_space<hbm>>) target(%dma_start3A_93 : memref<25x25x128xf32, #tpu.memory_space<vmem>>) target_semaphore(%arg6 : memref<!tpu.dma_semaphore, #tpu.memory_space<semaphore_mem>>)
    %dma_start3A_99 = arith.constant 4 : i32
    %dma_start3A_100 = arith.constant 4 : i32
    %dma_start3A_101 = arith.constant 0 : i32
    %dma_start3A_102 = arith.constant 0 : i32
    %dma_start3A_103 = arith.constant 0 : i32
    %dma_start3A_104 = tpu.memref_slice %arg4[%dma_start3A_100, %dma_start3A_101, %dma_start3A_102, %dma_start3A_103] : memref<20x25x25x128xf32, #tpu.memory_space<vmem>> -> memref<1x25x25x128xf32, #tpu.memory_space<vmem>>
    %dma_start3A_105 = tpu.memref_squeeze %dma_start3A_104 : memref<1x25x25x128xf32, #tpu.memory_space<vmem>> -> memref<25x25x128xf32, #tpu.memory_space<vmem>>
    %dma_start3A_106 = arith.constant 0 : i32
    %dma_start3A_107 = arith.constant 0 : i32
    %dma_start3A_108 = arith.constant 0 : i32
    %dma_start3A_109 = tpu.memref_slice %arg0[%dma_start3A_106, %dma_start3A_107, %dma_start3A_99, %dma_start3A_108] : memref<25x25x20x128xf32, #tpu.memory_space<hbm>> -> memref<25x25x1x128xf32, #tpu.memory_space<hbm>>
    %dma_start3A_110 = tpu.memref_squeeze %dma_start3A_109 : memref<25x25x1x128xf32, #tpu.memory_space<hbm>> -> memref<25x25x128xf32, #tpu.memory_space<hbm>>
    tpu.enqueue_dma source(%dma_start3A_110 : memref<25x25x128xf32, #tpu.memory_space<hbm>>) target(%dma_start3A_105 : memref<25x25x128xf32, #tpu.memory_space<vmem>>) target_semaphore(%arg6 : memref<!tpu.dma_semaphore, #tpu.memory_space<semaphore_mem>>)
    %dma_start3A_111 = arith.constant 4 : i32
    %dma_start3A_112 = arith.constant 0 : i32
    %dma_start3A_113 = arith.constant 4 : i32
    %dma_start3A_114 = arith.constant 0 : i32
    %dma_start3A_115 = arith.constant 0 : i32
    %dma_start3A_116 = arith.constant 0 : i32
    %dma_start3A_117 = tpu.memref_slice %arg5[%dma_start3A_113, %dma_start3A_114, %dma_start3A_115, %dma_start3A_116] : memref<20x25x25x128xf32, #tpu.memory_space<vmem>> -> memref<1x25x25x128xf32, #tpu.memory_space<vmem>>
    %dma_start3A_118 = tpu.memref_squeeze %dma_start3A_117 : memref<1x25x25x128xf32, #tpu.memory_space<vmem>> -> memref<25x25x128xf32, #tpu.memory_space<vmem>>
    %dma_start3A_119 = arith.constant 0 : i32
    %dma_start3A_120 = arith.constant 0 : i32
    %dma_start3A_121 = arith.constant 0 : i32
    %dma_start3A_122 = tpu.memref_slice %arg1[%dma_start3A_111, %dma_start3A_119, %dma_start3A_120, %dma_start3A_112, %dma_start3A_121] : memref<5x25x25x4x128xf32, #tpu.memory_space<hbm>> -> memref<1x25x25x1x128xf32, #tpu.memory_space<hbm>>
    %dma_start3A_123 = tpu.memref_squeeze %dma_start3A_122 : memref<1x25x25x1x128xf32, #tpu.memory_space<hbm>> -> memref<25x25x128xf32, #tpu.memory_space<hbm>>
    tpu.enqueue_dma source(%dma_start3A_123 : memref<25x25x128xf32, #tpu.memory_space<hbm>>) target(%dma_start3A_118 : memref<25x25x128xf32, #tpu.memory_space<vmem>>) target_semaphore(%arg6 : memref<!tpu.dma_semaphore, #tpu.memory_space<semaphore_mem>>)
    %dma_start3A_124 = arith.constant 5 : i32
    %dma_start3A_125 = arith.constant 5 : i32
    %dma_start3A_126 = arith.constant 0 : i32
    %dma_start3A_127 = arith.constant 0 : i32
    %dma_start3A_128 = arith.constant 0 : i32
    %dma_start3A_129 = tpu.memref_slice %arg4[%dma_start3A_125, %dma_start3A_126, %dma_start3A_127, %dma_start3A_128] : memref<20x25x25x128xf32, #tpu.memory_space<vmem>> -> memref<1x25x25x128xf32, #tpu.memory_space<vmem>>
    %dma_start3A_130 = tpu.memref_squeeze %dma_start3A_129 : memref<1x25x25x128xf32, #tpu.memory_space<vmem>> -> memref<25x25x128xf32, #tpu.memory_space<vmem>>
    %dma_start3A_131 = arith.constant 0 : i32
    %dma_start3A_132 = arith.constant 0 : i32
    %dma_start3A_133 = arith.constant 0 : i32
    %dma_start3A_134 = tpu.memref_slice %arg0[%dma_start3A_131, %dma_start3A_132, %dma_start3A_124, %dma_start3A_133] : memref<25x25x20x128xf32, #tpu.memory_space<hbm>> -> memref<25x25x1x128xf32, #tpu.memory_space<hbm>>
    %dma_start3A_135 = tpu.memref_squeeze %dma_start3A_134 : memref<25x25x1x128xf32, #tpu.memory_space<hbm>> -> memref<25x25x128xf32, #tpu.memory_space<hbm>>
    tpu.enqueue_dma source(%dma_start3A_135 : memref<25x25x128xf32, #tpu.memory_space<hbm>>) target(%dma_start3A_130 : memref<25x25x128xf32, #tpu.memory_space<vmem>>) target_semaphore(%arg6 : memref<!tpu.dma_semaphore, #tpu.memory_space<semaphore_mem>>)
    %dma_start3A_136 = arith.constant 0 : i32
    %dma_start3A_137 = arith.constant 1 : i32
    %dma_start3A_138 = arith.constant 5 : i32
    %dma_start3A_139 = arith.constant 0 : i32
    %dma_start3A_140 = arith.constant 0 : i32
    %dma_start3A_141 = arith.constant 0 : i32
    %dma_start3A_142 = tpu.memref_slice %arg5[%dma_start3A_138, %dma_start3A_139, %dma_start3A_140, %dma_start3A_141] : memref<20x25x25x128xf32, #tpu.memory_space<vmem>> -> memref<1x25x25x128xf32, #tpu.memory_space<vmem>>
    %dma_start3A_143 = tpu.memref_squeeze %dma_start3A_142 : memref<1x25x25x128xf32, #tpu.memory_space<vmem>> -> memref<25x25x128xf32, #tpu.memory_space<vmem>>
    %dma_start3A_144 = arith.constant 0 : i32
    %dma_start3A_145 = arith.constant 0 : i32
    %dma_start3A_146 = arith.constant 0 : i32
    %dma_start3A_147 = tpu.memref_slice %arg1[%dma_start3A_136, %dma_start3A_144, %dma_start3A_145, %dma_start3A_137, %dma_start3A_146] : memref<5x25x25x4x128xf32, #tpu.memory_space<hbm>> -> memref<1x25x25x1x128xf32, #tpu.memory_space<hbm>>
    %dma_start3A_148 = tpu.memref_squeeze %dma_start3A_147 : memref<1x25x25x1x128xf32, #tpu.memory_space<hbm>> -> memref<25x25x128xf32, #tpu.memory_space<hbm>>
    tpu.enqueue_dma source(%dma_start3A_148 : memref<25x25x128xf32, #tpu.memory_space<hbm>>) target(%dma_start3A_143 : memref<25x25x128xf32, #tpu.memory_space<vmem>>) target_semaphore(%arg6 : memref<!tpu.dma_semaphore, #tpu.memory_space<semaphore_mem>>)
    %dma_start3A_149 = arith.constant 6 : i32
    %dma_start3A_150 = arith.constant 6 : i32
    %dma_start3A_151 = arith.constant 0 : i32
    %dma_start3A_152 = arith.constant 0 : i32
    %dma_start3A_153 = arith.constant 0 : i32
    %dma_start3A_154 = tpu.memref_slice %arg4[%dma_start3A_150, %dma_start3A_151, %dma_start3A_152, %dma_start3A_153] : memref<20x25x25x128xf32, #tpu.memory_space<vmem>> -> memref<1x25x25x128xf32, #tpu.memory_space<vmem>>
    %dma_start3A_155 = tpu.memref_squeeze %dma_start3A_154 : memref<1x25x25x128xf32, #tpu.memory_space<vmem>> -> memref<25x25x128xf32, #tpu.memory_space<vmem>>
    %dma_start3A_156 = arith.constant 0 : i32
    %dma_start3A_157 = arith.constant 0 : i32
    %dma_start3A_158 = arith.constant 0 : i32
    %dma_start3A_159 = tpu.memref_slice %arg0[%dma_start3A_156, %dma_start3A_157, %dma_start3A_149, %dma_start3A_158] : memref<25x25x20x128xf32, #tpu.memory_space<hbm>> -> memref<25x25x1x128xf32, #tpu.memory_space<hbm>>
    %dma_start3A_160 = tpu.memref_squeeze %dma_start3A_159 : memref<25x25x1x128xf32, #tpu.memory_space<hbm>> -> memref<25x25x128xf32, #tpu.memory_space<hbm>>
    tpu.enqueue_dma source(%dma_start3A_160 : memref<25x25x128xf32, #tpu.memory_space<hbm>>) target(%dma_start3A_155 : memref<25x25x128xf32, #tpu.memory_space<vmem>>) target_semaphore(%arg6 : memref<!tpu.dma_semaphore, #tpu.memory_space<semaphore_mem>>)
    %dma_start3A_161 = arith.constant 1 : i32
    %dma_start3A_162 = arith.constant 1 : i32
    %dma_start3A_163 = arith.constant 6 : i32
    %dma_start3A_164 = arith.constant 0 : i32
    %dma_start3A_165 = arith.constant 0 : i32
    %dma_start3A_166 = arith.constant 0 : i32
    %dma_start3A_167 = tpu.memref_slice %arg5[%dma_start3A_163, %dma_start3A_164, %dma_start3A_165, %dma_start3A_166] : memref<20x25x25x128xf32, #tpu.memory_space<vmem>> -> memref<1x25x25x128xf32, #tpu.memory_space<vmem>>
    %dma_start3A_168 = tpu.memref_squeeze %dma_start3A_167 : memref<1x25x25x128xf32, #tpu.memory_space<vmem>> -> memref<25x25x128xf32, #tpu.memory_space<vmem>>
    %dma_start3A_169 = arith.constant 0 : i32
    %dma_start3A_170 = arith.constant 0 : i32
    %dma_start3A_171 = arith.constant 0 : i32
    %dma_start3A_172 = tpu.memref_slice %arg1[%dma_start3A_161, %dma_start3A_169, %dma_start3A_170, %dma_start3A_162, %dma_start3A_171] : memref<5x25x25x4x128xf32, #tpu.memory_space<hbm>> -> memref<1x25x25x1x128xf32, #tpu.memory_space<hbm>>
    %dma_start3A_173 = tpu.memref_squeeze %dma_start3A_172 : memref<1x25x25x1x128xf32, #tpu.memory_space<hbm>> -> memref<25x25x128xf32, #tpu.memory_space<hbm>>
    tpu.enqueue_dma source(%dma_start3A_173 : memref<25x25x128xf32, #tpu.memory_space<hbm>>) target(%dma_start3A_168 : memref<25x25x128xf32, #tpu.memory_space<vmem>>) target_semaphore(%arg6 : memref<!tpu.dma_semaphore, #tpu.memory_space<semaphore_mem>>)
    %dma_start3A_174 = arith.constant 7 : i32
    %dma_start3A_175 = arith.constant 7 : i32
    %dma_start3A_176 = arith.constant 0 : i32
    %dma_start3A_177 = arith.constant 0 : i32
    %dma_start3A_178 = arith.constant 0 : i32
    %dma_start3A_179 = tpu.memref_slice %arg4[%dma_start3A_175, %dma_start3A_176, %dma_start3A_177, %dma_start3A_178] : memref<20x25x25x128xf32, #tpu.memory_space<vmem>> -> memref<1x25x25x128xf32, #tpu.memory_space<vmem>>
    %dma_start3A_180 = tpu.memref_squeeze %dma_start3A_179 : memref<1x25x25x128xf32, #tpu.memory_space<vmem>> -> memref<25x25x128xf32, #tpu.memory_space<vmem>>
    %dma_start3A_181 = arith.constant 0 : i32
    %dma_start3A_182 = arith.constant 0 : i32
    %dma_start3A_183 = arith.constant 0 : i32
    %dma_start3A_184 = tpu.memref_slice %arg0[%dma_start3A_181, %dma_start3A_182, %dma_start3A_174, %dma_start3A_183] : memref<25x25x20x128xf32, #tpu.memory_space<hbm>> -> memref<25x25x1x128xf32, #tpu.memory_space<hbm>>
    %dma_start3A_185 = tpu.memref_squeeze %dma_start3A_184 : memref<25x25x1x128xf32, #tpu.memory_space<hbm>> -> memref<25x25x128xf32, #tpu.memory_space<hbm>>
    tpu.enqueue_dma source(%dma_start3A_185 : memref<25x25x128xf32, #tpu.memory_space<hbm>>) target(%dma_start3A_180 : memref<25x25x128xf32, #tpu.memory_space<vmem>>) target_semaphore(%arg6 : memref<!tpu.dma_semaphore, #tpu.memory_space<semaphore_mem>>)
    %dma_start3A_186 = arith.constant 2 : i32
    %dma_start3A_187 = arith.constant 1 : i32
    %dma_start3A_188 = arith.constant 7 : i32
    %dma_start3A_189 = arith.constant 0 : i32
    %dma_start3A_190 = arith.constant 0 : i32
    %dma_start3A_191 = arith.constant 0 : i32
    %dma_start3A_192 = tpu.memref_slice %arg5[%dma_start3A_188, %dma_start3A_189, %dma_start3A_190, %dma_start3A_191] : memref<20x25x25x128xf32, #tpu.memory_space<vmem>> -> memref<1x25x25x128xf32, #tpu.memory_space<vmem>>
    %dma_start3A_193 = tpu.memref_squeeze %dma_start3A_192 : memref<1x25x25x128xf32, #tpu.memory_space<vmem>> -> memref<25x25x128xf32, #tpu.memory_space<vmem>>
    %dma_start3A_194 = arith.constant 0 : i32
    %dma_start3A_195 = arith.constant 0 : i32
    %dma_start3A_196 = arith.constant 0 : i32
    %dma_start3A_197 = tpu.memref_slice %arg1[%dma_start3A_186, %dma_start3A_194, %dma_start3A_195, %dma_start3A_187, %dma_start3A_196] : memref<5x25x25x4x128xf32, #tpu.memory_space<hbm>> -> memref<1x25x25x1x128xf32, #tpu.memory_space<hbm>>
    %dma_start3A_198 = tpu.memref_squeeze %dma_start3A_197 : memref<1x25x25x1x128xf32, #tpu.memory_space<hbm>> -> memref<25x25x128xf32, #tpu.memory_space<hbm>>
    tpu.enqueue_dma source(%dma_start3A_198 : memref<25x25x128xf32, #tpu.memory_space<hbm>>) target(%dma_start3A_193 : memref<25x25x128xf32, #tpu.memory_space<vmem>>) target_semaphore(%arg6 : memref<!tpu.dma_semaphore, #tpu.memory_space<semaphore_mem>>)
    %dma_start3A_199 = arith.constant 8 : i32
    %dma_start3A_200 = arith.constant 8 : i32
    %dma_start3A_201 = arith.constant 0 : i32
    %dma_start3A_202 = arith.constant 0 : i32
    %dma_start3A_203 = arith.constant 0 : i32
    %dma_start3A_204 = tpu.memref_slice %arg4[%dma_start3A_200, %dma_start3A_201, %dma_start3A_202, %dma_start3A_203] : memref<20x25x25x128xf32, #tpu.memory_space<vmem>> -> memref<1x25x25x128xf32, #tpu.memory_space<vmem>>
    %dma_start3A_205 = tpu.memref_squeeze %dma_start3A_204 : memref<1x25x25x128xf32, #tpu.memory_space<vmem>> -> memref<25x25x128xf32, #tpu.memory_space<vmem>>
    %dma_start3A_206 = arith.constant 0 : i32
    %dma_start3A_207 = arith.constant 0 : i32
    %dma_start3A_208 = arith.constant 0 : i32
    %dma_start3A_209 = tpu.memref_slice %arg0[%dma_start3A_206, %dma_start3A_207, %dma_start3A_199, %dma_start3A_208] : memref<25x25x20x128xf32, #tpu.memory_space<hbm>> -> memref<25x25x1x128xf32, #tpu.memory_space<hbm>>
    %dma_start3A_210 = tpu.memref_squeeze %dma_start3A_209 : memref<25x25x1x128xf32, #tpu.memory_space<hbm>> -> memref<25x25x128xf32, #tpu.memory_space<hbm>>
    tpu.enqueue_dma source(%dma_start3A_210 : memref<25x25x128xf32, #tpu.memory_space<hbm>>) target(%dma_start3A_205 : memref<25x25x128xf32, #tpu.memory_space<vmem>>) target_semaphore(%arg6 : memref<!tpu.dma_semaphore, #tpu.memory_space<semaphore_mem>>)
    %dma_start3A_211 = arith.constant 3 : i32
    %dma_start3A_212 = arith.constant 1 : i32
    %dma_start3A_213 = arith.constant 8 : i32
    %dma_start3A_214 = arith.constant 0 : i32
    %dma_start3A_215 = arith.constant 0 : i32
    %dma_start3A_216 = arith.constant 0 : i32
    %dma_start3A_217 = tpu.memref_slice %arg5[%dma_start3A_213, %dma_start3A_214, %dma_start3A_215, %dma_start3A_216] : memref<20x25x25x128xf32, #tpu.memory_space<vmem>> -> memref<1x25x25x128xf32, #tpu.memory_space<vmem>>
    %dma_start3A_218 = tpu.memref_squeeze %dma_start3A_217 : memref<1x25x25x128xf32, #tpu.memory_space<vmem>> -> memref<25x25x128xf32, #tpu.memory_space<vmem>>
    %dma_start3A_219 = arith.constant 0 : i32
    %dma_start3A_220 = arith.constant 0 : i32
    %dma_start3A_221 = arith.constant 0 : i32
    %dma_start3A_222 = tpu.memref_slice %arg1[%dma_start3A_211, %dma_start3A_219, %dma_start3A_220, %dma_start3A_212, %dma_start3A_221] : memref<5x25x25x4x128xf32, #tpu.memory_space<hbm>> -> memref<1x25x25x1x128xf32, #tpu.memory_space<hbm>>
    %dma_start3A_223 = tpu.memref_squeeze %dma_start3A_222 : memref<1x25x25x1x128xf32, #tpu.memory_space<hbm>> -> memref<25x25x128xf32, #tpu.memory_space<hbm>>
    tpu.enqueue_dma source(%dma_start3A_223 : memref<25x25x128xf32, #tpu.memory_space<hbm>>) target(%dma_start3A_218 : memref<25x25x128xf32, #tpu.memory_space<vmem>>) target_semaphore(%arg6 : memref<!tpu.dma_semaphore, #tpu.memory_space<semaphore_mem>>)
    %dma_start3A_224 = arith.constant 9 : i32
    %dma_start3A_225 = arith.constant 9 : i32
    %dma_start3A_226 = arith.constant 0 : i32
    %dma_start3A_227 = arith.constant 0 : i32
    %dma_start3A_228 = arith.constant 0 : i32
    %dma_start3A_229 = tpu.memref_slice %arg4[%dma_start3A_225, %dma_start3A_226, %dma_start3A_227, %dma_start3A_228] : memref<20x25x25x128xf32, #tpu.memory_space<vmem>> -> memref<1x25x25x128xf32, #tpu.memory_space<vmem>>
    %dma_start3A_230 = tpu.memref_squeeze %dma_start3A_229 : memref<1x25x25x128xf32, #tpu.memory_space<vmem>> -> memref<25x25x128xf32, #tpu.memory_space<vmem>>
    %dma_start3A_231 = arith.constant 0 : i32
    %dma_start3A_232 = arith.constant 0 : i32
    %dma_start3A_233 = arith.constant 0 : i32
    %dma_start3A_234 = tpu.memref_slice %arg0[%dma_start3A_231, %dma_start3A_232, %dma_start3A_224, %dma_start3A_233] : memref<25x25x20x128xf32, #tpu.memory_space<hbm>> -> memref<25x25x1x128xf32, #tpu.memory_space<hbm>>
    %dma_start3A_235 = tpu.memref_squeeze %dma_start3A_234 : memref<25x25x1x128xf32, #tpu.memory_space<hbm>> -> memref<25x25x128xf32, #tpu.memory_space<hbm>>
    tpu.enqueue_dma source(%dma_start3A_235 : memref<25x25x128xf32, #tpu.memory_space<hbm>>) target(%dma_start3A_230 : memref<25x25x128xf32, #tpu.memory_space<vmem>>) target_semaphore(%arg6 : memref<!tpu.dma_semaphore, #tpu.memory_space<semaphore_mem>>)
    %dma_start3A_236 = arith.constant 4 : i32
    %dma_start3A_237 = arith.constant 1 : i32
    %dma_start3A_238 = arith.constant 9 : i32
    %dma_start3A_239 = arith.constant 0 : i32
    %dma_start3A_240 = arith.constant 0 : i32
    %dma_start3A_241 = arith.constant 0 : i32
    %dma_start3A_242 = tpu.memref_slice %arg5[%dma_start3A_238, %dma_start3A_239, %dma_start3A_240, %dma_start3A_241] : memref<20x25x25x128xf32, #tpu.memory_space<vmem>> -> memref<1x25x25x128xf32, #tpu.memory_space<vmem>>
    %dma_start3A_243 = tpu.memref_squeeze %dma_start3A_242 : memref<1x25x25x128xf32, #tpu.memory_space<vmem>> -> memref<25x25x128xf32, #tpu.memory_space<vmem>>
    %dma_start3A_244 = arith.constant 0 : i32
    %dma_start3A_245 = arith.constant 0 : i32
    %dma_start3A_246 = arith.constant 0 : i32
    %dma_start3A_247 = tpu.memref_slice %arg1[%dma_start3A_236, %dma_start3A_244, %dma_start3A_245, %dma_start3A_237, %dma_start3A_246] : memref<5x25x25x4x128xf32, #tpu.memory_space<hbm>> -> memref<1x25x25x1x128xf32, #tpu.memory_space<hbm>>
    %dma_start3A_248 = tpu.memref_squeeze %dma_start3A_247 : memref<1x25x25x1x128xf32, #tpu.memory_space<hbm>> -> memref<25x25x128xf32, #tpu.memory_space<hbm>>
    tpu.enqueue_dma source(%dma_start3A_248 : memref<25x25x128xf32, #tpu.memory_space<hbm>>) target(%dma_start3A_243 : memref<25x25x128xf32, #tpu.memory_space<vmem>>) target_semaphore(%arg6 : memref<!tpu.dma_semaphore, #tpu.memory_space<semaphore_mem>>)
    %dma_start3A_249 = arith.constant 10 : i32
    %dma_start3A_250 = arith.constant 10 : i32
    %dma_start3A_251 = arith.constant 0 : i32
    %dma_start3A_252 = arith.constant 0 : i32
    %dma_start3A_253 = arith.constant 0 : i32
    %dma_start3A_254 = tpu.memref_slice %arg4[%dma_start3A_250, %dma_start3A_251, %dma_start3A_252, %dma_start3A_253] : memref<20x25x25x128xf32, #tpu.memory_space<vmem>> -> memref<1x25x25x128xf32, #tpu.memory_space<vmem>>
    %dma_start3A_255 = tpu.memref_squeeze %dma_start3A_254 : memref<1x25x25x128xf32, #tpu.memory_space<vmem>> -> memref<25x25x128xf32, #tpu.memory_space<vmem>>
    %dma_start3A_256 = arith.constant 0 : i32
    %dma_start3A_257 = arith.constant 0 : i32
    %dma_start3A_258 = arith.constant 0 : i32
    %dma_start3A_259 = tpu.memref_slice %arg0[%dma_start3A_256, %dma_start3A_257, %dma_start3A_249, %dma_start3A_258] : memref<25x25x20x128xf32, #tpu.memory_space<hbm>> -> memref<25x25x1x128xf32, #tpu.memory_space<hbm>>
    %dma_start3A_260 = tpu.memref_squeeze %dma_start3A_259 : memref<25x25x1x128xf32, #tpu.memory_space<hbm>> -> memref<25x25x128xf32, #tpu.memory_space<hbm>>
    tpu.enqueue_dma source(%dma_start3A_260 : memref<25x25x128xf32, #tpu.memory_space<hbm>>) target(%dma_start3A_255 : memref<25x25x128xf32, #tpu.memory_space<vmem>>) target_semaphore(%arg6 : memref<!tpu.dma_semaphore, #tpu.memory_space<semaphore_mem>>)
    %dma_start3A_261 = arith.constant 0 : i32
    %dma_start3A_262 = arith.constant 2 : i32
    %dma_start3A_263 = arith.constant 10 : i32
    %dma_start3A_264 = arith.constant 0 : i32
    %dma_start3A_265 = arith.constant 0 : i32
    %dma_start3A_266 = arith.constant 0 : i32
    %dma_start3A_267 = tpu.memref_slice %arg5[%dma_start3A_263, %dma_start3A_264, %dma_start3A_265, %dma_start3A_266] : memref<20x25x25x128xf32, #tpu.memory_space<vmem>> -> memref<1x25x25x128xf32, #tpu.memory_space<vmem>>
    %dma_start3A_268 = tpu.memref_squeeze %dma_start3A_267 : memref<1x25x25x128xf32, #tpu.memory_space<vmem>> -> memref<25x25x128xf32, #tpu.memory_space<vmem>>
    %dma_start3A_269 = arith.constant 0 : i32
    %dma_start3A_270 = arith.constant 0 : i32
    %dma_start3A_271 = arith.constant 0 : i32
    %dma_start3A_272 = tpu.memref_slice %arg1[%dma_start3A_261, %dma_start3A_269, %dma_start3A_270, %dma_start3A_262, %dma_start3A_271] : memref<5x25x25x4x128xf32, #tpu.memory_space<hbm>> -> memref<1x25x25x1x128xf32, #tpu.memory_space<hbm>>
    %dma_start3A_273 = tpu.memref_squeeze %dma_start3A_272 : memref<1x25x25x1x128xf32, #tpu.memory_space<hbm>> -> memref<25x25x128xf32, #tpu.memory_space<hbm>>
    tpu.enqueue_dma source(%dma_start3A_273 : memref<25x25x128xf32, #tpu.memory_space<hbm>>) target(%dma_start3A_268 : memref<25x25x128xf32, #tpu.memory_space<vmem>>) target_semaphore(%arg6 : memref<!tpu.dma_semaphore, #tpu.memory_space<semaphore_mem>>)
    %dma_start3A_274 = arith.constant 11 : i32
    %dma_start3A_275 = arith.constant 11 : i32
    %dma_start3A_276 = arith.constant 0 : i32
    %dma_start3A_277 = arith.constant 0 : i32
    %dma_start3A_278 = arith.constant 0 : i32
    %dma_start3A_279 = tpu.memref_slice %arg4[%dma_start3A_275, %dma_start3A_276, %dma_start3A_277, %dma_start3A_278] : memref<20x25x25x128xf32, #tpu.memory_space<vmem>> -> memref<1x25x25x128xf32, #tpu.memory_space<vmem>>
    %dma_start3A_280 = tpu.memref_squeeze %dma_start3A_279 : memref<1x25x25x128xf32, #tpu.memory_space<vmem>> -> memref<25x25x128xf32, #tpu.memory_space<vmem>>
    %dma_start3A_281 = arith.constant 0 : i32
    %dma_start3A_282 = arith.constant 0 : i32
    %dma_start3A_283 = arith.constant 0 : i32
    %dma_start3A_284 = tpu.memref_slice %arg0[%dma_start3A_281, %dma_start3A_282, %dma_start3A_274, %dma_start3A_283] : memref<25x25x20x128xf32, #tpu.memory_space<hbm>> -> memref<25x25x1x128xf32, #tpu.memory_space<hbm>>
    %dma_start3A_285 = tpu.memref_squeeze %dma_start3A_284 : memref<25x25x1x128xf32, #tpu.memory_space<hbm>> -> memref<25x25x128xf32, #tpu.memory_space<hbm>>
    tpu.enqueue_dma source(%dma_start3A_285 : memref<25x25x128xf32, #tpu.memory_space<hbm>>) target(%dma_start3A_280 : memref<25x25x128xf32, #tpu.memory_space<vmem>>) target_semaphore(%arg6 : memref<!tpu.dma_semaphore, #tpu.memory_space<semaphore_mem>>)
    %dma_start3A_286 = arith.constant 1 : i32
    %dma_start3A_287 = arith.constant 2 : i32
    %dma_start3A_288 = arith.constant 11 : i32
    %dma_start3A_289 = arith.constant 0 : i32
    %dma_start3A_290 = arith.constant 0 : i32
    %dma_start3A_291 = arith.constant 0 : i32
    %dma_start3A_292 = tpu.memref_slice %arg5[%dma_start3A_288, %dma_start3A_289, %dma_start3A_290, %dma_start3A_291] : memref<20x25x25x128xf32, #tpu.memory_space<vmem>> -> memref<1x25x25x128xf32, #tpu.memory_space<vmem>>
    %dma_start3A_293 = tpu.memref_squeeze %dma_start3A_292 : memref<1x25x25x128xf32, #tpu.memory_space<vmem>> -> memref<25x25x128xf32, #tpu.memory_space<vmem>>
    %dma_start3A_294 = arith.constant 0 : i32
    %dma_start3A_295 = arith.constant 0 : i32
    %dma_start3A_296 = arith.constant 0 : i32
    %dma_start3A_297 = tpu.memref_slice %arg1[%dma_start3A_286, %dma_start3A_294, %dma_start3A_295, %dma_start3A_287, %dma_start3A_296] : memref<5x25x25x4x128xf32, #tpu.memory_space<hbm>> -> memref<1x25x25x1x128xf32, #tpu.memory_space<hbm>>
    %dma_start3A_298 = tpu.memref_squeeze %dma_start3A_297 : memref<1x25x25x1x128xf32, #tpu.memory_space<hbm>> -> memref<25x25x128xf32, #tpu.memory_space<hbm>>
    tpu.enqueue_dma source(%dma_start3A_298 : memref<25x25x128xf32, #tpu.memory_space<hbm>>) target(%dma_start3A_293 : memref<25x25x128xf32, #tpu.memory_space<vmem>>) target_semaphore(%arg6 : memref<!tpu.dma_semaphore, #tpu.memory_space<semaphore_mem>>)
    %dma_start3A_299 = arith.constant 12 : i32
    %dma_start3A_300 = arith.constant 12 : i32
    %dma_start3A_301 = arith.constant 0 : i32
    %dma_start3A_302 = arith.constant 0 : i32
    %dma_start3A_303 = arith.constant 0 : i32
    %dma_start3A_304 = tpu.memref_slice %arg4[%dma_start3A_300, %dma_start3A_301, %dma_start3A_302, %dma_start3A_303] : memref<20x25x25x128xf32, #tpu.memory_space<vmem>> -> memref<1x25x25x128xf32, #tpu.memory_space<vmem>>
    %dma_start3A_305 = tpu.memref_squeeze %dma_start3A_304 : memref<1x25x25x128xf32, #tpu.memory_space<vmem>> -> memref<25x25x128xf32, #tpu.memory_space<vmem>>
    %dma_start3A_306 = arith.constant 0 : i32
    %dma_start3A_307 = arith.constant 0 : i32
    %dma_start3A_308 = arith.constant 0 : i32
    %dma_start3A_309 = tpu.memref_slice %arg0[%dma_start3A_306, %dma_start3A_307, %dma_start3A_299, %dma_start3A_308] : memref<25x25x20x128xf32, #tpu.memory_space<hbm>> -> memref<25x25x1x128xf32, #tpu.memory_space<hbm>>
    %dma_start3A_310 = tpu.memref_squeeze %dma_start3A_309 : memref<25x25x1x128xf32, #tpu.memory_space<hbm>> -> memref<25x25x128xf32, #tpu.memory_space<hbm>>
    tpu.enqueue_dma source(%dma_start3A_310 : memref<25x25x128xf32, #tpu.memory_space<hbm>>) target(%dma_start3A_305 : memref<25x25x128xf32, #tpu.memory_space<vmem>>) target_semaphore(%arg6 : memref<!tpu.dma_semaphore, #tpu.memory_space<semaphore_mem>>)
    %dma_start3A_311 = arith.constant 2 : i32
    %dma_start3A_312 = arith.constant 2 : i32
    %dma_start3A_313 = arith.constant 12 : i32
    %dma_start3A_314 = arith.constant 0 : i32
    %dma_start3A_315 = arith.constant 0 : i32
    %dma_start3A_316 = arith.constant 0 : i32
    %dma_start3A_317 = tpu.memref_slice %arg5[%dma_start3A_313, %dma_start3A_314, %dma_start3A_315, %dma_start3A_316] : memref<20x25x25x128xf32, #tpu.memory_space<vmem>> -> memref<1x25x25x128xf32, #tpu.memory_space<vmem>>
    %dma_start3A_318 = tpu.memref_squeeze %dma_start3A_317 : memref<1x25x25x128xf32, #tpu.memory_space<vmem>> -> memref<25x25x128xf32, #tpu.memory_space<vmem>>
    %dma_start3A_319 = arith.constant 0 : i32
    %dma_start3A_320 = arith.constant 0 : i32
    %dma_start3A_321 = arith.constant 0 : i32
    %dma_start3A_322 = tpu.memref_slice %arg1[%dma_start3A_311, %dma_start3A_319, %dma_start3A_320, %dma_start3A_312, %dma_start3A_321] : memref<5x25x25x4x128xf32, #tpu.memory_space<hbm>> -> memref<1x25x25x1x128xf32, #tpu.memory_space<hbm>>
    %dma_start3A_323 = tpu.memref_squeeze %dma_start3A_322 : memref<1x25x25x1x128xf32, #tpu.memory_space<hbm>> -> memref<25x25x128xf32, #tpu.memory_space<hbm>>
    tpu.enqueue_dma source(%dma_start3A_323 : memref<25x25x128xf32, #tpu.memory_space<hbm>>) target(%dma_start3A_318 : memref<25x25x128xf32, #tpu.memory_space<vmem>>) target_semaphore(%arg6 : memref<!tpu.dma_semaphore, #tpu.memory_space<semaphore_mem>>)
    %dma_start3A_324 = arith.constant 13 : i32
    %dma_start3A_325 = arith.constant 13 : i32
    %dma_start3A_326 = arith.constant 0 : i32
    %dma_start3A_327 = arith.constant 0 : i32
    %dma_start3A_328 = arith.constant 0 : i32
    %dma_start3A_329 = tpu.memref_slice %arg4[%dma_start3A_325, %dma_start3A_326, %dma_start3A_327, %dma_start3A_328] : memref<20x25x25x128xf32, #tpu.memory_space<vmem>> -> memref<1x25x25x128xf32, #tpu.memory_space<vmem>>
    %dma_start3A_330 = tpu.memref_squeeze %dma_start3A_329 : memref<1x25x25x128xf32, #tpu.memory_space<vmem>> -> memref<25x25x128xf32, #tpu.memory_space<vmem>>
    %dma_start3A_331 = arith.constant 0 : i32
    %dma_start3A_332 = arith.constant 0 : i32
    %dma_start3A_333 = arith.constant 0 : i32
    %dma_start3A_334 = tpu.memref_slice %arg0[%dma_start3A_331, %dma_start3A_332, %dma_start3A_324, %dma_start3A_333] : memref<25x25x20x128xf32, #tpu.memory_space<hbm>> -> memref<25x25x1x128xf32, #tpu.memory_space<hbm>>
    %dma_start3A_335 = tpu.memref_squeeze %dma_start3A_334 : memref<25x25x1x128xf32, #tpu.memory_space<hbm>> -> memref<25x25x128xf32, #tpu.memory_space<hbm>>
    tpu.enqueue_dma source(%dma_start3A_335 : memref<25x25x128xf32, #tpu.memory_space<hbm>>) target(%dma_start3A_330 : memref<25x25x128xf32, #tpu.memory_space<vmem>>) target_semaphore(%arg6 : memref<!tpu.dma_semaphore, #tpu.memory_space<semaphore_mem>>)
    %dma_start3A_336 = arith.constant 3 : i32
    %dma_start3A_337 = arith.constant 2 : i32
    %dma_start3A_338 = arith.constant 13 : i32
    %dma_start3A_339 = arith.constant 0 : i32
    %dma_start3A_340 = arith.constant 0 : i32
    %dma_start3A_341 = arith.constant 0 : i32
    %dma_start3A_342 = tpu.memref_slice %arg5[%dma_start3A_338, %dma_start3A_339, %dma_start3A_340, %dma_start3A_341] : memref<20x25x25x128xf32, #tpu.memory_space<vmem>> -> memref<1x25x25x128xf32, #tpu.memory_space<vmem>>
    %dma_start3A_343 = tpu.memref_squeeze %dma_start3A_342 : memref<1x25x25x128xf32, #tpu.memory_space<vmem>> -> memref<25x25x128xf32, #tpu.memory_space<vmem>>
    %dma_start3A_344 = arith.constant 0 : i32
    %dma_start3A_345 = arith.constant 0 : i32
    %dma_start3A_346 = arith.constant 0 : i32
    %dma_start3A_347 = tpu.memref_slice %arg1[%dma_start3A_336, %dma_start3A_344, %dma_start3A_345, %dma_start3A_337, %dma_start3A_346] : memref<5x25x25x4x128xf32, #tpu.memory_space<hbm>> -> memref<1x25x25x1x128xf32, #tpu.memory_space<hbm>>
    %dma_start3A_348 = tpu.memref_squeeze %dma_start3A_347 : memref<1x25x25x1x128xf32, #tpu.memory_space<hbm>> -> memref<25x25x128xf32, #tpu.memory_space<hbm>>
    tpu.enqueue_dma source(%dma_start3A_348 : memref<25x25x128xf32, #tpu.memory_space<hbm>>) target(%dma_start3A_343 : memref<25x25x128xf32, #tpu.memory_space<vmem>>) target_semaphore(%arg6 : memref<!tpu.dma_semaphore, #tpu.memory_space<semaphore_mem>>)
    %dma_start3A_349 = arith.constant 14 : i32
    %dma_start3A_350 = arith.constant 14 : i32
    %dma_start3A_351 = arith.constant 0 : i32
    %dma_start3A_352 = arith.constant 0 : i32
    %dma_start3A_353 = arith.constant 0 : i32
    %dma_start3A_354 = tpu.memref_slice %arg4[%dma_start3A_350, %dma_start3A_351, %dma_start3A_352, %dma_start3A_353] : memref<20x25x25x128xf32, #tpu.memory_space<vmem>> -> memref<1x25x25x128xf32, #tpu.memory_space<vmem>>
    %dma_start3A_355 = tpu.memref_squeeze %dma_start3A_354 : memref<1x25x25x128xf32, #tpu.memory_space<vmem>> -> memref<25x25x128xf32, #tpu.memory_space<vmem>>
    %dma_start3A_356 = arith.constant 0 : i32
    %dma_start3A_357 = arith.constant 0 : i32
    %dma_start3A_358 = arith.constant 0 : i32
    %dma_start3A_359 = tpu.memref_slice %arg0[%dma_start3A_356, %dma_start3A_357, %dma_start3A_349, %dma_start3A_358] : memref<25x25x20x128xf32, #tpu.memory_space<hbm>> -> memref<25x25x1x128xf32, #tpu.memory_space<hbm>>
    %dma_start3A_360 = tpu.memref_squeeze %dma_start3A_359 : memref<25x25x1x128xf32, #tpu.memory_space<hbm>> -> memref<25x25x128xf32, #tpu.memory_space<hbm>>
    tpu.enqueue_dma source(%dma_start3A_360 : memref<25x25x128xf32, #tpu.memory_space<hbm>>) target(%dma_start3A_355 : memref<25x25x128xf32, #tpu.memory_space<vmem>>) target_semaphore(%arg6 : memref<!tpu.dma_semaphore, #tpu.memory_space<semaphore_mem>>)
    %dma_start3A_361 = arith.constant 4 : i32
    %dma_start3A_362 = arith.constant 2 : i32
    %dma_start3A_363 = arith.constant 14 : i32
    %dma_start3A_364 = arith.constant 0 : i32
    %dma_start3A_365 = arith.constant 0 : i32
    %dma_start3A_366 = arith.constant 0 : i32
    %dma_start3A_367 = tpu.memref_slice %arg5[%dma_start3A_363, %dma_start3A_364, %dma_start3A_365, %dma_start3A_366] : memref<20x25x25x128xf32, #tpu.memory_space<vmem>> -> memref<1x25x25x128xf32, #tpu.memory_space<vmem>>
    %dma_start3A_368 = tpu.memref_squeeze %dma_start3A_367 : memref<1x25x25x128xf32, #tpu.memory_space<vmem>> -> memref<25x25x128xf32, #tpu.memory_space<vmem>>
    %dma_start3A_369 = arith.constant 0 : i32
    %dma_start3A_370 = arith.constant 0 : i32
    %dma_start3A_371 = arith.constant 0 : i32
    %dma_start3A_372 = tpu.memref_slice %arg1[%dma_start3A_361, %dma_start3A_369, %dma_start3A_370, %dma_start3A_362, %dma_start3A_371] : memref<5x25x25x4x128xf32, #tpu.memory_space<hbm>> -> memref<1x25x25x1x128xf32, #tpu.memory_space<hbm>>
    %dma_start3A_373 = tpu.memref_squeeze %dma_start3A_372 : memref<1x25x25x1x128xf32, #tpu.memory_space<hbm>> -> memref<25x25x128xf32, #tpu.memory_space<hbm>>
    tpu.enqueue_dma source(%dma_start3A_373 : memref<25x25x128xf32, #tpu.memory_space<hbm>>) target(%dma_start3A_368 : memref<25x25x128xf32, #tpu.memory_space<vmem>>) target_semaphore(%arg6 : memref<!tpu.dma_semaphore, #tpu.memory_space<semaphore_mem>>)
    %dma_start3A_374 = arith.constant 15 : i32
    %dma_start3A_375 = arith.constant 15 : i32
    %dma_start3A_376 = arith.constant 0 : i32
    %dma_start3A_377 = arith.constant 0 : i32
    %dma_start3A_378 = arith.constant 0 : i32
    %dma_start3A_379 = tpu.memref_slice %arg4[%dma_start3A_375, %dma_start3A_376, %dma_start3A_377, %dma_start3A_378] : memref<20x25x25x128xf32, #tpu.memory_space<vmem>> -> memref<1x25x25x128xf32, #tpu.memory_space<vmem>>
    %dma_start3A_380 = tpu.memref_squeeze %dma_start3A_379 : memref<1x25x25x128xf32, #tpu.memory_space<vmem>> -> memref<25x25x128xf32, #tpu.memory_space<vmem>>
    %dma_start3A_381 = arith.constant 0 : i32
    %dma_start3A_382 = arith.constant 0 : i32
    %dma_start3A_383 = arith.constant 0 : i32
    %dma_start3A_384 = tpu.memref_slice %arg0[%dma_start3A_381, %dma_start3A_382, %dma_start3A_374, %dma_start3A_383] : memref<25x25x20x128xf32, #tpu.memory_space<hbm>> -> memref<25x25x1x128xf32, #tpu.memory_space<hbm>>
    %dma_start3A_385 = tpu.memref_squeeze %dma_start3A_384 : memref<25x25x1x128xf32, #tpu.memory_space<hbm>> -> memref<25x25x128xf32, #tpu.memory_space<hbm>>
    tpu.enqueue_dma source(%dma_start3A_385 : memref<25x25x128xf32, #tpu.memory_space<hbm>>) target(%dma_start3A_380 : memref<25x25x128xf32, #tpu.memory_space<vmem>>) target_semaphore(%arg6 : memref<!tpu.dma_semaphore, #tpu.memory_space<semaphore_mem>>)
    %dma_start3A_386 = arith.constant 0 : i32
    %dma_start3A_387 = arith.constant 3 : i32
    %dma_start3A_388 = arith.constant 15 : i32
    %dma_start3A_389 = arith.constant 0 : i32
    %dma_start3A_390 = arith.constant 0 : i32
    %dma_start3A_391 = arith.constant 0 : i32
    %dma_start3A_392 = tpu.memref_slice %arg5[%dma_start3A_388, %dma_start3A_389, %dma_start3A_390, %dma_start3A_391] : memref<20x25x25x128xf32, #tpu.memory_space<vmem>> -> memref<1x25x25x128xf32, #tpu.memory_space<vmem>>
    %dma_start3A_393 = tpu.memref_squeeze %dma_start3A_392 : memref<1x25x25x128xf32, #tpu.memory_space<vmem>> -> memref<25x25x128xf32, #tpu.memory_space<vmem>>
    %dma_start3A_394 = arith.constant 0 : i32
    %dma_start3A_395 = arith.constant 0 : i32
    %dma_start3A_396 = arith.constant 0 : i32
    %dma_start3A_397 = tpu.memref_slice %arg1[%dma_start3A_386, %dma_start3A_394, %dma_start3A_395, %dma_start3A_387, %dma_start3A_396] : memref<5x25x25x4x128xf32, #tpu.memory_space<hbm>> -> memref<1x25x25x1x128xf32, #tpu.memory_space<hbm>>
    %dma_start3A_398 = tpu.memref_squeeze %dma_start3A_397 : memref<1x25x25x1x128xf32, #tpu.memory_space<hbm>> -> memref<25x25x128xf32, #tpu.memory_space<hbm>>
    tpu.enqueue_dma source(%dma_start3A_398 : memref<25x25x128xf32, #tpu.memory_space<hbm>>) target(%dma_start3A_393 : memref<25x25x128xf32, #tpu.memory_space<vmem>>) target_semaphore(%arg6 : memref<!tpu.dma_semaphore, #tpu.memory_space<semaphore_mem>>)
    %dma_start3A_399 = arith.constant 16 : i32
    %dma_start3A_400 = arith.constant 16 : i32
    %dma_start3A_401 = arith.constant 0 : i32
    %dma_start3A_402 = arith.constant 0 : i32
    %dma_start3A_403 = arith.constant 0 : i32
    %dma_start3A_404 = tpu.memref_slice %arg4[%dma_start3A_400, %dma_start3A_401, %dma_start3A_402, %dma_start3A_403] : memref<20x25x25x128xf32, #tpu.memory_space<vmem>> -> memref<1x25x25x128xf32, #tpu.memory_space<vmem>>
    %dma_start3A_405 = tpu.memref_squeeze %dma_start3A_404 : memref<1x25x25x128xf32, #tpu.memory_space<vmem>> -> memref<25x25x128xf32, #tpu.memory_space<vmem>>
    %dma_start3A_406 = arith.constant 0 : i32
    %dma_start3A_407 = arith.constant 0 : i32
    %dma_start3A_408 = arith.constant 0 : i32
    %dma_start3A_409 = tpu.memref_slice %arg0[%dma_start3A_406, %dma_start3A_407, %dma_start3A_399, %dma_start3A_408] : memref<25x25x20x128xf32, #tpu.memory_space<hbm>> -> memref<25x25x1x128xf32, #tpu.memory_space<hbm>>
    %dma_start3A_410 = tpu.memref_squeeze %dma_start3A_409 : memref<25x25x1x128xf32, #tpu.memory_space<hbm>> -> memref<25x25x128xf32, #tpu.memory_space<hbm>>
    tpu.enqueue_dma source(%dma_start3A_410 : memref<25x25x128xf32, #tpu.memory_space<hbm>>) target(%dma_start3A_405 : memref<25x25x128xf32, #tpu.memory_space<vmem>>) target_semaphore(%arg6 : memref<!tpu.dma_semaphore, #tpu.memory_space<semaphore_mem>>)
    %dma_start3A_411 = arith.constant 1 : i32
    %dma_start3A_412 = arith.constant 3 : i32
    %dma_start3A_413 = arith.constant 16 : i32
    %dma_start3A_414 = arith.constant 0 : i32
    %dma_start3A_415 = arith.constant 0 : i32
    %dma_start3A_416 = arith.constant 0 : i32
    %dma_start3A_417 = tpu.memref_slice %arg5[%dma_start3A_413, %dma_start3A_414, %dma_start3A_415, %dma_start3A_416] : memref<20x25x25x128xf32, #tpu.memory_space<vmem>> -> memref<1x25x25x128xf32, #tpu.memory_space<vmem>>
    %dma_start3A_418 = tpu.memref_squeeze %dma_start3A_417 : memref<1x25x25x128xf32, #tpu.memory_space<vmem>> -> memref<25x25x128xf32, #tpu.memory_space<vmem>>
    %dma_start3A_419 = arith.constant 0 : i32
    %dma_start3A_420 = arith.constant 0 : i32
    %dma_start3A_421 = arith.constant 0 : i32
    %dma_start3A_422 = tpu.memref_slice %arg1[%dma_start3A_411, %dma_start3A_419, %dma_start3A_420, %dma_start3A_412, %dma_start3A_421] : memref<5x25x25x4x128xf32, #tpu.memory_space<hbm>> -> memref<1x25x25x1x128xf32, #tpu.memory_space<hbm>>
    %dma_start3A_423 = tpu.memref_squeeze %dma_start3A_422 : memref<1x25x25x1x128xf32, #tpu.memory_space<hbm>> -> memref<25x25x128xf32, #tpu.memory_space<hbm>>
    tpu.enqueue_dma source(%dma_start3A_423 : memref<25x25x128xf32, #tpu.memory_space<hbm>>) target(%dma_start3A_418 : memref<25x25x128xf32, #tpu.memory_space<vmem>>) target_semaphore(%arg6 : memref<!tpu.dma_semaphore, #tpu.memory_space<semaphore_mem>>)
    %dma_start3A_424 = arith.constant 17 : i32
    %dma_start3A_425 = arith.constant 17 : i32
    %dma_start3A_426 = arith.constant 0 : i32
    %dma_start3A_427 = arith.constant 0 : i32
    %dma_start3A_428 = arith.constant 0 : i32
    %dma_start3A_429 = tpu.memref_slice %arg4[%dma_start3A_425, %dma_start3A_426, %dma_start3A_427, %dma_start3A_428] : memref<20x25x25x128xf32, #tpu.memory_space<vmem>> -> memref<1x25x25x128xf32, #tpu.memory_space<vmem>>
    %dma_start3A_430 = tpu.memref_squeeze %dma_start3A_429 : memref<1x25x25x128xf32, #tpu.memory_space<vmem>> -> memref<25x25x128xf32, #tpu.memory_space<vmem>>
    %dma_start3A_431 = arith.constant 0 : i32
    %dma_start3A_432 = arith.constant 0 : i32
    %dma_start3A_433 = arith.constant 0 : i32
    %dma_start3A_434 = tpu.memref_slice %arg0[%dma_start3A_431, %dma_start3A_432, %dma_start3A_424, %dma_start3A_433] : memref<25x25x20x128xf32, #tpu.memory_space<hbm>> -> memref<25x25x1x128xf32, #tpu.memory_space<hbm>>
    %dma_start3A_435 = tpu.memref_squeeze %dma_start3A_434 : memref<25x25x1x128xf32, #tpu.memory_space<hbm>> -> memref<25x25x128xf32, #tpu.memory_space<hbm>>
    tpu.enqueue_dma source(%dma_start3A_435 : memref<25x25x128xf32, #tpu.memory_space<hbm>>) target(%dma_start3A_430 : memref<25x25x128xf32, #tpu.memory_space<vmem>>) target_semaphore(%arg6 : memref<!tpu.dma_semaphore, #tpu.memory_space<semaphore_mem>>)
    %dma_start3A_436 = arith.constant 2 : i32
    %dma_start3A_437 = arith.constant 3 : i32
    %dma_start3A_438 = arith.constant 17 : i32
    %dma_start3A_439 = arith.constant 0 : i32
    %dma_start3A_440 = arith.constant 0 : i32
    %dma_start3A_441 = arith.constant 0 : i32
    %dma_start3A_442 = tpu.memref_slice %arg5[%dma_start3A_438, %dma_start3A_439, %dma_start3A_440, %dma_start3A_441] : memref<20x25x25x128xf32, #tpu.memory_space<vmem>> -> memref<1x25x25x128xf32, #tpu.memory_space<vmem>>
    %dma_start3A_443 = tpu.memref_squeeze %dma_start3A_442 : memref<1x25x25x128xf32, #tpu.memory_space<vmem>> -> memref<25x25x128xf32, #tpu.memory_space<vmem>>
    %dma_start3A_444 = arith.constant 0 : i32
    %dma_start3A_445 = arith.constant 0 : i32
    %dma_start3A_446 = arith.constant 0 : i32
    %dma_start3A_447 = tpu.memref_slice %arg1[%dma_start3A_436, %dma_start3A_444, %dma_start3A_445, %dma_start3A_437, %dma_start3A_446] : memref<5x25x25x4x128xf32, #tpu.memory_space<hbm>> -> memref<1x25x25x1x128xf32, #tpu.memory_space<hbm>>
    %dma_start3A_448 = tpu.memref_squeeze %dma_start3A_447 : memref<1x25x25x1x128xf32, #tpu.memory_space<hbm>> -> memref<25x25x128xf32, #tpu.memory_space<hbm>>
    tpu.enqueue_dma source(%dma_start3A_448 : memref<25x25x128xf32, #tpu.memory_space<hbm>>) target(%dma_start3A_443 : memref<25x25x128xf32, #tpu.memory_space<vmem>>) target_semaphore(%arg6 : memref<!tpu.dma_semaphore, #tpu.memory_space<semaphore_mem>>)
    %dma_start3A_449 = arith.constant 18 : i32
    %dma_start3A_450 = arith.constant 18 : i32
    %dma_start3A_451 = arith.constant 0 : i32
    %dma_start3A_452 = arith.constant 0 : i32
    %dma_start3A_453 = arith.constant 0 : i32
    %dma_start3A_454 = tpu.memref_slice %arg4[%dma_start3A_450, %dma_start3A_451, %dma_start3A_452, %dma_start3A_453] : memref<20x25x25x128xf32, #tpu.memory_space<vmem>> -> memref<1x25x25x128xf32, #tpu.memory_space<vmem>>
    %dma_start3A_455 = tpu.memref_squeeze %dma_start3A_454 : memref<1x25x25x128xf32, #tpu.memory_space<vmem>> -> memref<25x25x128xf32, #tpu.memory_space<vmem>>
    %dma_start3A_456 = arith.constant 0 : i32
    %dma_start3A_457 = arith.constant 0 : i32
    %dma_start3A_458 = arith.constant 0 : i32
    %dma_start3A_459 = tpu.memref_slice %arg0[%dma_start3A_456, %dma_start3A_457, %dma_start3A_449, %dma_start3A_458] : memref<25x25x20x128xf32, #tpu.memory_space<hbm>> -> memref<25x25x1x128xf32, #tpu.memory_space<hbm>>
    %dma_start3A_460 = tpu.memref_squeeze %dma_start3A_459 : memref<25x25x1x128xf32, #tpu.memory_space<hbm>> -> memref<25x25x128xf32, #tpu.memory_space<hbm>>
    tpu.enqueue_dma source(%dma_start3A_460 : memref<25x25x128xf32, #tpu.memory_space<hbm>>) target(%dma_start3A_455 : memref<25x25x128xf32, #tpu.memory_space<vmem>>) target_semaphore(%arg6 : memref<!tpu.dma_semaphore, #tpu.memory_space<semaphore_mem>>)
    %dma_start3A_461 = arith.constant 3 : i32
    %dma_start3A_462 = arith.constant 3 : i32
    %dma_start3A_463 = arith.constant 18 : i32
    %dma_start3A_464 = arith.constant 0 : i32
    %dma_start3A_465 = arith.constant 0 : i32
    %dma_start3A_466 = arith.constant 0 : i32
    %dma_start3A_467 = tpu.memref_slice %arg5[%dma_start3A_463, %dma_start3A_464, %dma_start3A_465, %dma_start3A_466] : memref<20x25x25x128xf32, #tpu.memory_space<vmem>> -> memref<1x25x25x128xf32, #tpu.memory_space<vmem>>
    %dma_start3A_468 = tpu.memref_squeeze %dma_start3A_467 : memref<1x25x25x128xf32, #tpu.memory_space<vmem>> -> memref<25x25x128xf32, #tpu.memory_space<vmem>>
    %dma_start3A_469 = arith.constant 0 : i32
    %dma_start3A_470 = arith.constant 0 : i32
    %dma_start3A_471 = arith.constant 0 : i32
    %dma_start3A_472 = tpu.memref_slice %arg1[%dma_start3A_461, %dma_start3A_469, %dma_start3A_470, %dma_start3A_462, %dma_start3A_471] : memref<5x25x25x4x128xf32, #tpu.memory_space<hbm>> -> memref<1x25x25x1x128xf32, #tpu.memory_space<hbm>>
    %dma_start3A_473 = tpu.memref_squeeze %dma_start3A_472 : memref<1x25x25x1x128xf32, #tpu.memory_space<hbm>> -> memref<25x25x128xf32, #tpu.memory_space<hbm>>
    tpu.enqueue_dma source(%dma_start3A_473 : memref<25x25x128xf32, #tpu.memory_space<hbm>>) target(%dma_start3A_468 : memref<25x25x128xf32, #tpu.memory_space<vmem>>) target_semaphore(%arg6 : memref<!tpu.dma_semaphore, #tpu.memory_space<semaphore_mem>>)
    %dma_start3A_474 = arith.constant 19 : i32
    %dma_start3A_475 = arith.constant 19 : i32
    %dma_start3A_476 = arith.constant 0 : i32
    %dma_start3A_477 = arith.constant 0 : i32
    %dma_start3A_478 = arith.constant 0 : i32
    %dma_start3A_479 = tpu.memref_slice %arg4[%dma_start3A_475, %dma_start3A_476, %dma_start3A_477, %dma_start3A_478] : memref<20x25x25x128xf32, #tpu.memory_space<vmem>> -> memref<1x25x25x128xf32, #tpu.memory_space<vmem>>
    %dma_start3A_480 = tpu.memref_squeeze %dma_start3A_479 : memref<1x25x25x128xf32, #tpu.memory_space<vmem>> -> memref<25x25x128xf32, #tpu.memory_space<vmem>>
    %dma_start3A_481 = arith.constant 0 : i32
    %dma_start3A_482 = arith.constant 0 : i32
    %dma_start3A_483 = arith.constant 0 : i32
    %dma_start3A_484 = tpu.memref_slice %arg0[%dma_start3A_481, %dma_start3A_482, %dma_start3A_474, %dma_start3A_483] : memref<25x25x20x128xf32, #tpu.memory_space<hbm>> -> memref<25x25x1x128xf32, #tpu.memory_space<hbm>>
    %dma_start3A_485 = tpu.memref_squeeze %dma_start3A_484 : memref<25x25x1x128xf32, #tpu.memory_space<hbm>> -> memref<25x25x128xf32, #tpu.memory_space<hbm>>
    tpu.enqueue_dma source(%dma_start3A_485 : memref<25x25x128xf32, #tpu.memory_space<hbm>>) target(%dma_start3A_480 : memref<25x25x128xf32, #tpu.memory_space<vmem>>) target_semaphore(%arg6 : memref<!tpu.dma_semaphore, #tpu.memory_space<semaphore_mem>>)
    %dma_start3A_486 = arith.constant 4 : i32
    %dma_start3A_487 = arith.constant 3 : i32
    %dma_start3A_488 = arith.constant 19 : i32
    %dma_start3A_489 = arith.constant 0 : i32
    %dma_start3A_490 = arith.constant 0 : i32
    %dma_start3A_491 = arith.constant 0 : i32
    %dma_start3A_492 = tpu.memref_slice %arg5[%dma_start3A_488, %dma_start3A_489, %dma_start3A_490, %dma_start3A_491] : memref<20x25x25x128xf32, #tpu.memory_space<vmem>> -> memref<1x25x25x128xf32, #tpu.memory_space<vmem>>
    %dma_start3A_493 = tpu.memref_squeeze %dma_start3A_492 : memref<1x25x25x128xf32, #tpu.memory_space<vmem>> -> memref<25x25x128xf32, #tpu.memory_space<vmem>>
    %dma_start3A_494 = arith.constant 0 : i32
    %dma_start3A_495 = arith.constant 0 : i32
    %dma_start3A_496 = arith.constant 0 : i32
    %dma_start3A_497 = tpu.memref_slice %arg1[%dma_start3A_486, %dma_start3A_494, %dma_start3A_495, %dma_start3A_487, %dma_start3A_496] : memref<5x25x25x4x128xf32, #tpu.memory_space<hbm>> -> memref<1x25x25x1x128xf32, #tpu.memory_space<hbm>>
    %dma_start3A_498 = tpu.memref_squeeze %dma_start3A_497 : memref<1x25x25x1x128xf32, #tpu.memory_space<hbm>> -> memref<25x25x128xf32, #tpu.memory_space<hbm>>
    tpu.enqueue_dma source(%dma_start3A_498 : memref<25x25x128xf32, #tpu.memory_space<hbm>>) target(%dma_start3A_493 : memref<25x25x128xf32, #tpu.memory_space<vmem>>) target_semaphore(%arg6 : memref<!tpu.dma_semaphore, #tpu.memory_space<semaphore_mem>>)
    %dma_wait3A = arith.constant 0 : i32
    %dma_wait3A_499 = arith.constant 0 : i32
    %dma_wait3A_500 = arith.constant 0 : i32
    %dma_wait3A_501 = arith.constant 0 : i32
    %dma_wait3A_502 = arith.constant 0 : i32
    %dma_wait3A_503 = tpu.memref_slice %arg4[%dma_wait3A_499, %dma_wait3A_500, %dma_wait3A_501, %dma_wait3A_502] : memref<20x25x25x128xf32, #tpu.memory_space<vmem>> -> memref<1x25x25x128xf32, #tpu.memory_space<vmem>>
    %dma_wait3A_504 = tpu.memref_squeeze %dma_wait3A_503 : memref<1x25x25x128xf32, #tpu.memory_space<vmem>> -> memref<25x25x128xf32, #tpu.memory_space<vmem>>
    %dma_wait3A_505 = arith.constant 0 : i32
    %dma_wait3A_506 = arith.constant 0 : i32
    %dma_wait3A_507 = arith.constant 0 : i32
    %dma_wait3A_508 = tpu.memref_slice %arg0[%dma_wait3A_505, %dma_wait3A_506, %dma_wait3A, %dma_wait3A_507] : memref<25x25x20x128xf32, #tpu.memory_space<hbm>> -> memref<25x25x1x128xf32, #tpu.memory_space<hbm>>
    %dma_wait3A_509 = tpu.memref_squeeze %dma_wait3A_508 : memref<25x25x1x128xf32, #tpu.memory_space<hbm>> -> memref<25x25x128xf32, #tpu.memory_space<hbm>>
    tpu.wait_dma2 semaphore(%arg6 : memref<!tpu.dma_semaphore, #tpu.memory_space<semaphore_mem>>) src(%dma_wait3A_509 : memref<25x25x128xf32, #tpu.memory_space<hbm>>) dst(%dma_wait3A_504 : memref<25x25x128xf32, #tpu.memory_space<vmem>>)
    %dma_wait3A_510 = arith.constant 0 : i32
    %dma_wait3A_511 = arith.constant 0 : i32
    %dma_wait3A_512 = arith.constant 0 : i32
    %dma_wait3A_513 = arith.constant 0 : i32
    %dma_wait3A_514 = arith.constant 0 : i32
    %dma_wait3A_515 = arith.constant 0 : i32
    %dma_wait3A_516 = tpu.memref_slice %arg5[%dma_wait3A_512, %dma_wait3A_513, %dma_wait3A_514, %dma_wait3A_515] : memref<20x25x25x128xf32, #tpu.memory_space<vmem>> -> memref<1x25x25x128xf32, #tpu.memory_space<vmem>>
    %dma_wait3A_517 = tpu.memref_squeeze %dma_wait3A_516 : memref<1x25x25x128xf32, #tpu.memory_space<vmem>> -> memref<25x25x128xf32, #tpu.memory_space<vmem>>
    %dma_wait3A_518 = arith.constant 0 : i32
    %dma_wait3A_519 = arith.constant 0 : i32
    %dma_wait3A_520 = arith.constant 0 : i32
    %dma_wait3A_521 = tpu.memref_slice %arg1[%dma_wait3A_510, %dma_wait3A_518, %dma_wait3A_519, %dma_wait3A_511, %dma_wait3A_520] : memref<5x25x25x4x128xf32, #tpu.memory_space<hbm>> -> memref<1x25x25x1x128xf32, #tpu.memory_space<hbm>>
    %dma_wait3A_522 = tpu.memref_squeeze %dma_wait3A_521 : memref<1x25x25x1x128xf32, #tpu.memory_space<hbm>> -> memref<25x25x128xf32, #tpu.memory_space<hbm>>
    tpu.wait_dma2 semaphore(%arg6 : memref<!tpu.dma_semaphore, #tpu.memory_space<semaphore_mem>>) src(%dma_wait3A_522 : memref<25x25x128xf32, #tpu.memory_space<hbm>>) dst(%dma_wait3A_517 : memref<25x25x128xf32, #tpu.memory_space<vmem>>)
    %dma_wait3A_523 = arith.constant 1 : i32
    %dma_wait3A_524 = arith.constant 1 : i32
    %dma_wait3A_525 = arith.constant 0 : i32
    %dma_wait3A_526 = arith.constant 0 : i32
    %dma_wait3A_527 = arith.constant 0 : i32
    %dma_wait3A_528 = tpu.memref_slice %arg4[%dma_wait3A_524, %dma_wait3A_525, %dma_wait3A_526, %dma_wait3A_527] : memref<20x25x25x128xf32, #tpu.memory_space<vmem>> -> memref<1x25x25x128xf32, #tpu.memory_space<vmem>>
    %dma_wait3A_529 = tpu.memref_squeeze %dma_wait3A_528 : memref<1x25x25x128xf32, #tpu.memory_space<vmem>> -> memref<25x25x128xf32, #tpu.memory_space<vmem>>
    %dma_wait3A_530 = arith.constant 0 : i32
    %dma_wait3A_531 = arith.constant 0 : i32
    %dma_wait3A_532 = arith.constant 0 : i32
    %dma_wait3A_533 = tpu.memref_slice %arg0[%dma_wait3A_530, %dma_wait3A_531, %dma_wait3A_523, %dma_wait3A_532] : memref<25x25x20x128xf32, #tpu.memory_space<hbm>> -> memref<25x25x1x128xf32, #tpu.memory_space<hbm>>
    %dma_wait3A_534 = tpu.memref_squeeze %dma_wait3A_533 : memref<25x25x1x128xf32, #tpu.memory_space<hbm>> -> memref<25x25x128xf32, #tpu.memory_space<hbm>>
    tpu.wait_dma2 semaphore(%arg6 : memref<!tpu.dma_semaphore, #tpu.memory_space<semaphore_mem>>) src(%dma_wait3A_534 : memref<25x25x128xf32, #tpu.memory_space<hbm>>) dst(%dma_wait3A_529 : memref<25x25x128xf32, #tpu.memory_space<vmem>>)
    %dma_wait3A_535 = arith.constant 1 : i32
    %dma_wait3A_536 = arith.constant 0 : i32
    %dma_wait3A_537 = arith.constant 1 : i32
    %dma_wait3A_538 = arith.constant 0 : i32
    %dma_wait3A_539 = arith.constant 0 : i32
    %dma_wait3A_540 = arith.constant 0 : i32
    %dma_wait3A_541 = tpu.memref_slice %arg5[%dma_wait3A_537, %dma_wait3A_538, %dma_wait3A_539, %dma_wait3A_540] : memref<20x25x25x128xf32, #tpu.memory_space<vmem>> -> memref<1x25x25x128xf32, #tpu.memory_space<vmem>>
    %dma_wait3A_542 = tpu.memref_squeeze %dma_wait3A_541 : memref<1x25x25x128xf32, #tpu.memory_space<vmem>> -> memref<25x25x128xf32, #tpu.memory_space<vmem>>
    %dma_wait3A_543 = arith.constant 0 : i32
    %dma_wait3A_544 = arith.constant 0 : i32
    %dma_wait3A_545 = arith.constant 0 : i32
    %dma_wait3A_546 = tpu.memref_slice %arg1[%dma_wait3A_535, %dma_wait3A_543, %dma_wait3A_544, %dma_wait3A_536, %dma_wait3A_545] : memref<5x25x25x4x128xf32, #tpu.memory_space<hbm>> -> memref<1x25x25x1x128xf32, #tpu.memory_space<hbm>>
    %dma_wait3A_547 = tpu.memref_squeeze %dma_wait3A_546 : memref<1x25x25x1x128xf32, #tpu.memory_space<hbm>> -> memref<25x25x128xf32, #tpu.memory_space<hbm>>
    tpu.wait_dma2 semaphore(%arg6 : memref<!tpu.dma_semaphore, #tpu.memory_space<semaphore_mem>>) src(%dma_wait3A_547 : memref<25x25x128xf32, #tpu.memory_space<hbm>>) dst(%dma_wait3A_542 : memref<25x25x128xf32, #tpu.memory_space<vmem>>)
    %dma_wait3A_548 = arith.constant 2 : i32
    %dma_wait3A_549 = arith.constant 2 : i32
    %dma_wait3A_550 = arith.constant 0 : i32
    %dma_wait3A_551 = arith.constant 0 : i32
    %dma_wait3A_552 = arith.constant 0 : i32
    %dma_wait3A_553 = tpu.memref_slice %arg4[%dma_wait3A_549, %dma_wait3A_550, %dma_wait3A_551, %dma_wait3A_552] : memref<20x25x25x128xf32, #tpu.memory_space<vmem>> -> memref<1x25x25x128xf32, #tpu.memory_space<vmem>>
    %dma_wait3A_554 = tpu.memref_squeeze %dma_wait3A_553 : memref<1x25x25x128xf32, #tpu.memory_space<vmem>> -> memref<25x25x128xf32, #tpu.memory_space<vmem>>
    %dma_wait3A_555 = arith.constant 0 : i32
    %dma_wait3A_556 = arith.constant 0 : i32
    %dma_wait3A_557 = arith.constant 0 : i32
    %dma_wait3A_558 = tpu.memref_slice %arg0[%dma_wait3A_555, %dma_wait3A_556, %dma_wait3A_548, %dma_wait3A_557] : memref<25x25x20x128xf32, #tpu.memory_space<hbm>> -> memref<25x25x1x128xf32, #tpu.memory_space<hbm>>
    %dma_wait3A_559 = tpu.memref_squeeze %dma_wait3A_558 : memref<25x25x1x128xf32, #tpu.memory_space<hbm>> -> memref<25x25x128xf32, #tpu.memory_space<hbm>>
    tpu.wait_dma2 semaphore(%arg6 : memref<!tpu.dma_semaphore, #tpu.memory_space<semaphore_mem>>) src(%dma_wait3A_559 : memref<25x25x128xf32, #tpu.memory_space<hbm>>) dst(%dma_wait3A_554 : memref<25x25x128xf32, #tpu.memory_space<vmem>>)
    %dma_wait3A_560 = arith.constant 2 : i32
    %dma_wait3A_561 = arith.constant 0 : i32
    %dma_wait3A_562 = arith.constant 2 : i32
    %dma_wait3A_563 = arith.constant 0 : i32
    %dma_wait3A_564 = arith.constant 0 : i32
    %dma_wait3A_565 = arith.constant 0 : i32
    %dma_wait3A_566 = tpu.memref_slice %arg5[%dma_wait3A_562, %dma_wait3A_563, %dma_wait3A_564, %dma_wait3A_565] : memref<20x25x25x128xf32, #tpu.memory_space<vmem>> -> memref<1x25x25x128xf32, #tpu.memory_space<vmem>>
    %dma_wait3A_567 = tpu.memref_squeeze %dma_wait3A_566 : memref<1x25x25x128xf32, #tpu.memory_space<vmem>> -> memref<25x25x128xf32, #tpu.memory_space<vmem>>
    %dma_wait3A_568 = arith.constant 0 : i32
    %dma_wait3A_569 = arith.constant 0 : i32
    %dma_wait3A_570 = arith.constant 0 : i32
    %dma_wait3A_571 = tpu.memref_slice %arg1[%dma_wait3A_560, %dma_wait3A_568, %dma_wait3A_569, %dma_wait3A_561, %dma_wait3A_570] : memref<5x25x25x4x128xf32, #tpu.memory_space<hbm>> -> memref<1x25x25x1x128xf32, #tpu.memory_space<hbm>>
    %dma_wait3A_572 = tpu.memref_squeeze %dma_wait3A_571 : memref<1x25x25x1x128xf32, #tpu.memory_space<hbm>> -> memref<25x25x128xf32, #tpu.memory_space<hbm>>
    tpu.wait_dma2 semaphore(%arg6 : memref<!tpu.dma_semaphore, #tpu.memory_space<semaphore_mem>>) src(%dma_wait3A_572 : memref<25x25x128xf32, #tpu.memory_space<hbm>>) dst(%dma_wait3A_567 : memref<25x25x128xf32, #tpu.memory_space<vmem>>)
    %dma_wait3A_573 = arith.constant 3 : i32
    %dma_wait3A_574 = arith.constant 3 : i32
    %dma_wait3A_575 = arith.constant 0 : i32
    %dma_wait3A_576 = arith.constant 0 : i32
    %dma_wait3A_577 = arith.constant 0 : i32
    %dma_wait3A_578 = tpu.memref_slice %arg4[%dma_wait3A_574, %dma_wait3A_575, %dma_wait3A_576, %dma_wait3A_577] : memref<20x25x25x128xf32, #tpu.memory_space<vmem>> -> memref<1x25x25x128xf32, #tpu.memory_space<vmem>>
    %dma_wait3A_579 = tpu.memref_squeeze %dma_wait3A_578 : memref<1x25x25x128xf32, #tpu.memory_space<vmem>> -> memref<25x25x128xf32, #tpu.memory_space<vmem>>
    %dma_wait3A_580 = arith.constant 0 : i32
    %dma_wait3A_581 = arith.constant 0 : i32
    %dma_wait3A_582 = arith.constant 0 : i32
    %dma_wait3A_583 = tpu.memref_slice %arg0[%dma_wait3A_580, %dma_wait3A_581, %dma_wait3A_573, %dma_wait3A_582] : memref<25x25x20x128xf32, #tpu.memory_space<hbm>> -> memref<25x25x1x128xf32, #tpu.memory_space<hbm>>
    %dma_wait3A_584 = tpu.memref_squeeze %dma_wait3A_583 : memref<25x25x1x128xf32, #tpu.memory_space<hbm>> -> memref<25x25x128xf32, #tpu.memory_space<hbm>>
    tpu.wait_dma2 semaphore(%arg6 : memref<!tpu.dma_semaphore, #tpu.memory_space<semaphore_mem>>) src(%dma_wait3A_584 : memref<25x25x128xf32, #tpu.memory_space<hbm>>) dst(%dma_wait3A_579 : memref<25x25x128xf32, #tpu.memory_space<vmem>>)
    %dma_wait3A_585 = arith.constant 3 : i32
    %dma_wait3A_586 = arith.constant 0 : i32
    %dma_wait3A_587 = arith.constant 3 : i32
    %dma_wait3A_588 = arith.constant 0 : i32
    %dma_wait3A_589 = arith.constant 0 : i32
    %dma_wait3A_590 = arith.constant 0 : i32
    %dma_wait3A_591 = tpu.memref_slice %arg5[%dma_wait3A_587, %dma_wait3A_588, %dma_wait3A_589, %dma_wait3A_590] : memref<20x25x25x128xf32, #tpu.memory_space<vmem>> -> memref<1x25x25x128xf32, #tpu.memory_space<vmem>>
    %dma_wait3A_592 = tpu.memref_squeeze %dma_wait3A_591 : memref<1x25x25x128xf32, #tpu.memory_space<vmem>> -> memref<25x25x128xf32, #tpu.memory_space<vmem>>
    %dma_wait3A_593 = arith.constant 0 : i32
    %dma_wait3A_594 = arith.constant 0 : i32
    %dma_wait3A_595 = arith.constant 0 : i32
    %dma_wait3A_596 = tpu.memref_slice %arg1[%dma_wait3A_585, %dma_wait3A_593, %dma_wait3A_594, %dma_wait3A_586, %dma_wait3A_595] : memref<5x25x25x4x128xf32, #tpu.memory_space<hbm>> -> memref<1x25x25x1x128xf32, #tpu.memory_space<hbm>>
    %dma_wait3A_597 = tpu.memref_squeeze %dma_wait3A_596 : memref<1x25x25x1x128xf32, #tpu.memory_space<hbm>> -> memref<25x25x128xf32, #tpu.memory_space<hbm>>
    tpu.wait_dma2 semaphore(%arg6 : memref<!tpu.dma_semaphore, #tpu.memory_space<semaphore_mem>>) src(%dma_wait3A_597 : memref<25x25x128xf32, #tpu.memory_space<hbm>>) dst(%dma_wait3A_592 : memref<25x25x128xf32, #tpu.memory_space<vmem>>)
    %dma_wait3A_598 = arith.constant 4 : i32
    %dma_wait3A_599 = arith.constant 4 : i32
    %dma_wait3A_600 = arith.constant 0 : i32
    %dma_wait3A_601 = arith.constant 0 : i32
    %dma_wait3A_602 = arith.constant 0 : i32
    %dma_wait3A_603 = tpu.memref_slice %arg4[%dma_wait3A_599, %dma_wait3A_600, %dma_wait3A_601, %dma_wait3A_602] : memref<20x25x25x128xf32, #tpu.memory_space<vmem>> -> memref<1x25x25x128xf32, #tpu.memory_space<vmem>>
    %dma_wait3A_604 = tpu.memref_squeeze %dma_wait3A_603 : memref<1x25x25x128xf32, #tpu.memory_space<vmem>> -> memref<25x25x128xf32, #tpu.memory_space<vmem>>
    %dma_wait3A_605 = arith.constant 0 : i32
    %dma_wait3A_606 = arith.constant 0 : i32
    %dma_wait3A_607 = arith.constant 0 : i32
    %dma_wait3A_608 = tpu.memref_slice %arg0[%dma_wait3A_605, %dma_wait3A_606, %dma_wait3A_598, %dma_wait3A_607] : memref<25x25x20x128xf32, #tpu.memory_space<hbm>> -> memref<25x25x1x128xf32, #tpu.memory_space<hbm>>
    %dma_wait3A_609 = tpu.memref_squeeze %dma_wait3A_608 : memref<25x25x1x128xf32, #tpu.memory_space<hbm>> -> memref<25x25x128xf32, #tpu.memory_space<hbm>>
    tpu.wait_dma2 semaphore(%arg6 : memref<!tpu.dma_semaphore, #tpu.memory_space<semaphore_mem>>) src(%dma_wait3A_609 : memref<25x25x128xf32, #tpu.memory_space<hbm>>) dst(%dma_wait3A_604 : memref<25x25x128xf32, #tpu.memory_space<vmem>>)
    %dma_wait3A_610 = arith.constant 4 : i32
    %dma_wait3A_611 = arith.constant 0 : i32
    %dma_wait3A_612 = arith.constant 4 : i32
    %dma_wait3A_613 = arith.constant 0 : i32
    %dma_wait3A_614 = arith.constant 0 : i32
    %dma_wait3A_615 = arith.constant 0 : i32
    %dma_wait3A_616 = tpu.memref_slice %arg5[%dma_wait3A_612, %dma_wait3A_613, %dma_wait3A_614, %dma_wait3A_615] : memref<20x25x25x128xf32, #tpu.memory_space<vmem>> -> memref<1x25x25x128xf32, #tpu.memory_space<vmem>>
    %dma_wait3A_617 = tpu.memref_squeeze %dma_wait3A_616 : memref<1x25x25x128xf32, #tpu.memory_space<vmem>> -> memref<25x25x128xf32, #tpu.memory_space<vmem>>
    %dma_wait3A_618 = arith.constant 0 : i32
    %dma_wait3A_619 = arith.constant 0 : i32
    %dma_wait3A_620 = arith.constant 0 : i32
    %dma_wait3A_621 = tpu.memref_slice %arg1[%dma_wait3A_610, %dma_wait3A_618, %dma_wait3A_619, %dma_wait3A_611, %dma_wait3A_620] : memref<5x25x25x4x128xf32, #tpu.memory_space<hbm>> -> memref<1x25x25x1x128xf32, #tpu.memory_space<hbm>>
    %dma_wait3A_622 = tpu.memref_squeeze %dma_wait3A_621 : memref<1x25x25x1x128xf32, #tpu.memory_space<hbm>> -> memref<25x25x128xf32, #tpu.memory_space<hbm>>
    tpu.wait_dma2 semaphore(%arg6 : memref<!tpu.dma_semaphore, #tpu.memory_space<semaphore_mem>>) src(%dma_wait3A_622 : memref<25x25x128xf32, #tpu.memory_space<hbm>>) dst(%dma_wait3A_617 : memref<25x25x128xf32, #tpu.memory_space<vmem>>)
    %dma_wait3A_623 = arith.constant 5 : i32
    %dma_wait3A_624 = arith.constant 5 : i32
    %dma_wait3A_625 = arith.constant 0 : i32
    %dma_wait3A_626 = arith.constant 0 : i32
    %dma_wait3A_627 = arith.constant 0 : i32
    %dma_wait3A_628 = tpu.memref_slice %arg4[%dma_wait3A_624, %dma_wait3A_625, %dma_wait3A_626, %dma_wait3A_627] : memref<20x25x25x128xf32, #tpu.memory_space<vmem>> -> memref<1x25x25x128xf32, #tpu.memory_space<vmem>>
    %dma_wait3A_629 = tpu.memref_squeeze %dma_wait3A_628 : memref<1x25x25x128xf32, #tpu.memory_space<vmem>> -> memref<25x25x128xf32, #tpu.memory_space<vmem>>
    %dma_wait3A_630 = arith.constant 0 : i32
    %dma_wait3A_631 = arith.constant 0 : i32
    %dma_wait3A_632 = arith.constant 0 : i32
    %dma_wait3A_633 = tpu.memref_slice %arg0[%dma_wait3A_630, %dma_wait3A_631, %dma_wait3A_623, %dma_wait3A_632] : memref<25x25x20x128xf32, #tpu.memory_space<hbm>> -> memref<25x25x1x128xf32, #tpu.memory_space<hbm>>
    %dma_wait3A_634 = tpu.memref_squeeze %dma_wait3A_633 : memref<25x25x1x128xf32, #tpu.memory_space<hbm>> -> memref<25x25x128xf32, #tpu.memory_space<hbm>>
    tpu.wait_dma2 semaphore(%arg6 : memref<!tpu.dma_semaphore, #tpu.memory_space<semaphore_mem>>) src(%dma_wait3A_634 : memref<25x25x128xf32, #tpu.memory_space<hbm>>) dst(%dma_wait3A_629 : memref<25x25x128xf32, #tpu.memory_space<vmem>>)
    %dma_wait3A_635 = arith.constant 0 : i32
    %dma_wait3A_636 = arith.constant 1 : i32
    %dma_wait3A_637 = arith.constant 5 : i32
    %dma_wait3A_638 = arith.constant 0 : i32
    %dma_wait3A_639 = arith.constant 0 : i32
    %dma_wait3A_640 = arith.constant 0 : i32
    %dma_wait3A_641 = tpu.memref_slice %arg5[%dma_wait3A_637, %dma_wait3A_638, %dma_wait3A_639, %dma_wait3A_640] : memref<20x25x25x128xf32, #tpu.memory_space<vmem>> -> memref<1x25x25x128xf32, #tpu.memory_space<vmem>>
    %dma_wait3A_642 = tpu.memref_squeeze %dma_wait3A_641 : memref<1x25x25x128xf32, #tpu.memory_space<vmem>> -> memref<25x25x128xf32, #tpu.memory_space<vmem>>
    %dma_wait3A_643 = arith.constant 0 : i32
    %dma_wait3A_644 = arith.constant 0 : i32
    %dma_wait3A_645 = arith.constant 0 : i32
    %dma_wait3A_646 = tpu.memref_slice %arg1[%dma_wait3A_635, %dma_wait3A_643, %dma_wait3A_644, %dma_wait3A_636, %dma_wait3A_645] : memref<5x25x25x4x128xf32, #tpu.memory_space<hbm>> -> memref<1x25x25x1x128xf32, #tpu.memory_space<hbm>>
    %dma_wait3A_647 = tpu.memref_squeeze %dma_wait3A_646 : memref<1x25x25x1x128xf32, #tpu.memory_space<hbm>> -> memref<25x25x128xf32, #tpu.memory_space<hbm>>
    tpu.wait_dma2 semaphore(%arg6 : memref<!tpu.dma_semaphore, #tpu.memory_space<semaphore_mem>>) src(%dma_wait3A_647 : memref<25x25x128xf32, #tpu.memory_space<hbm>>) dst(%dma_wait3A_642 : memref<25x25x128xf32, #tpu.memory_space<vmem>>)
    %dma_wait3A_648 = arith.constant 6 : i32
    %dma_wait3A_649 = arith.constant 6 : i32
    %dma_wait3A_650 = arith.constant 0 : i32
    %dma_wait3A_651 = arith.constant 0 : i32
    %dma_wait3A_652 = arith.constant 0 : i32
    %dma_wait3A_653 = tpu.memref_slice %arg4[%dma_wait3A_649, %dma_wait3A_650, %dma_wait3A_651, %dma_wait3A_652] : memref<20x25x25x128xf32, #tpu.memory_space<vmem>> -> memref<1x25x25x128xf32, #tpu.memory_space<vmem>>
    %dma_wait3A_654 = tpu.memref_squeeze %dma_wait3A_653 : memref<1x25x25x128xf32, #tpu.memory_space<vmem>> -> memref<25x25x128xf32, #tpu.memory_space<vmem>>
    %dma_wait3A_655 = arith.constant 0 : i32
    %dma_wait3A_656 = arith.constant 0 : i32
    %dma_wait3A_657 = arith.constant 0 : i32
    %dma_wait3A_658 = tpu.memref_slice %arg0[%dma_wait3A_655, %dma_wait3A_656, %dma_wait3A_648, %dma_wait3A_657] : memref<25x25x20x128xf32, #tpu.memory_space<hbm>> -> memref<25x25x1x128xf32, #tpu.memory_space<hbm>>
    %dma_wait3A_659 = tpu.memref_squeeze %dma_wait3A_658 : memref<25x25x1x128xf32, #tpu.memory_space<hbm>> -> memref<25x25x128xf32, #tpu.memory_space<hbm>>
    tpu.wait_dma2 semaphore(%arg6 : memref<!tpu.dma_semaphore, #tpu.memory_space<semaphore_mem>>) src(%dma_wait3A_659 : memref<25x25x128xf32, #tpu.memory_space<hbm>>) dst(%dma_wait3A_654 : memref<25x25x128xf32, #tpu.memory_space<vmem>>)
    %dma_wait3A_660 = arith.constant 1 : i32
    %dma_wait3A_661 = arith.constant 1 : i32
    %dma_wait3A_662 = arith.constant 6 : i32
    %dma_wait3A_663 = arith.constant 0 : i32
    %dma_wait3A_664 = arith.constant 0 : i32
    %dma_wait3A_665 = arith.constant 0 : i32
    %dma_wait3A_666 = tpu.memref_slice %arg5[%dma_wait3A_662, %dma_wait3A_663, %dma_wait3A_664, %dma_wait3A_665] : memref<20x25x25x128xf32, #tpu.memory_space<vmem>> -> memref<1x25x25x128xf32, #tpu.memory_space<vmem>>
    %dma_wait3A_667 = tpu.memref_squeeze %dma_wait3A_666 : memref<1x25x25x128xf32, #tpu.memory_space<vmem>> -> memref<25x25x128xf32, #tpu.memory_space<vmem>>
    %dma_wait3A_668 = arith.constant 0 : i32
    %dma_wait3A_669 = arith.constant 0 : i32
    %dma_wait3A_670 = arith.constant 0 : i32
    %dma_wait3A_671 = tpu.memref_slice %arg1[%dma_wait3A_660, %dma_wait3A_668, %dma_wait3A_669, %dma_wait3A_661, %dma_wait3A_670] : memref<5x25x25x4x128xf32, #tpu.memory_space<hbm>> -> memref<1x25x25x1x128xf32, #tpu.memory_space<hbm>>
    %dma_wait3A_672 = tpu.memref_squeeze %dma_wait3A_671 : memref<1x25x25x1x128xf32, #tpu.memory_space<hbm>> -> memref<25x25x128xf32, #tpu.memory_space<hbm>>
    tpu.wait_dma2 semaphore(%arg6 : memref<!tpu.dma_semaphore, #tpu.memory_space<semaphore_mem>>) src(%dma_wait3A_672 : memref<25x25x128xf32, #tpu.memory_space<hbm>>) dst(%dma_wait3A_667 : memref<25x25x128xf32, #tpu.memory_space<vmem>>)
    %dma_wait3A_673 = arith.constant 7 : i32
    %dma_wait3A_674 = arith.constant 7 : i32
    %dma_wait3A_675 = arith.constant 0 : i32
    %dma_wait3A_676 = arith.constant 0 : i32
    %dma_wait3A_677 = arith.constant 0 : i32
    %dma_wait3A_678 = tpu.memref_slice %arg4[%dma_wait3A_674, %dma_wait3A_675, %dma_wait3A_676, %dma_wait3A_677] : memref<20x25x25x128xf32, #tpu.memory_space<vmem>> -> memref<1x25x25x128xf32, #tpu.memory_space<vmem>>
    %dma_wait3A_679 = tpu.memref_squeeze %dma_wait3A_678 : memref<1x25x25x128xf32, #tpu.memory_space<vmem>> -> memref<25x25x128xf32, #tpu.memory_space<vmem>>
    %dma_wait3A_680 = arith.constant 0 : i32
    %dma_wait3A_681 = arith.constant 0 : i32
    %dma_wait3A_682 = arith.constant 0 : i32
    %dma_wait3A_683 = tpu.memref_slice %arg0[%dma_wait3A_680, %dma_wait3A_681, %dma_wait3A_673, %dma_wait3A_682] : memref<25x25x20x128xf32, #tpu.memory_space<hbm>> -> memref<25x25x1x128xf32, #tpu.memory_space<hbm>>
    %dma_wait3A_684 = tpu.memref_squeeze %dma_wait3A_683 : memref<25x25x1x128xf32, #tpu.memory_space<hbm>> -> memref<25x25x128xf32, #tpu.memory_space<hbm>>
    tpu.wait_dma2 semaphore(%arg6 : memref<!tpu.dma_semaphore, #tpu.memory_space<semaphore_mem>>) src(%dma_wait3A_684 : memref<25x25x128xf32, #tpu.memory_space<hbm>>) dst(%dma_wait3A_679 : memref<25x25x128xf32, #tpu.memory_space<vmem>>)
    %dma_wait3A_685 = arith.constant 2 : i32
    %dma_wait3A_686 = arith.constant 1 : i32
    %dma_wait3A_687 = arith.constant 7 : i32
    %dma_wait3A_688 = arith.constant 0 : i32
    %dma_wait3A_689 = arith.constant 0 : i32
    %dma_wait3A_690 = arith.constant 0 : i32
    %dma_wait3A_691 = tpu.memref_slice %arg5[%dma_wait3A_687, %dma_wait3A_688, %dma_wait3A_689, %dma_wait3A_690] : memref<20x25x25x128xf32, #tpu.memory_space<vmem>> -> memref<1x25x25x128xf32, #tpu.memory_space<vmem>>
    %dma_wait3A_692 = tpu.memref_squeeze %dma_wait3A_691 : memref<1x25x25x128xf32, #tpu.memory_space<vmem>> -> memref<25x25x128xf32, #tpu.memory_space<vmem>>
    %dma_wait3A_693 = arith.constant 0 : i32
    %dma_wait3A_694 = arith.constant 0 : i32
    %dma_wait3A_695 = arith.constant 0 : i32
    %dma_wait3A_696 = tpu.memref_slice %arg1[%dma_wait3A_685, %dma_wait3A_693, %dma_wait3A_694, %dma_wait3A_686, %dma_wait3A_695] : memref<5x25x25x4x128xf32, #tpu.memory_space<hbm>> -> memref<1x25x25x1x128xf32, #tpu.memory_space<hbm>>
    %dma_wait3A_697 = tpu.memref_squeeze %dma_wait3A_696 : memref<1x25x25x1x128xf32, #tpu.memory_space<hbm>> -> memref<25x25x128xf32, #tpu.memory_space<hbm>>
    tpu.wait_dma2 semaphore(%arg6 : memref<!tpu.dma_semaphore, #tpu.memory_space<semaphore_mem>>) src(%dma_wait3A_697 : memref<25x25x128xf32, #tpu.memory_space<hbm>>) dst(%dma_wait3A_692 : memref<25x25x128xf32, #tpu.memory_space<vmem>>)
    %dma_wait3A_698 = arith.constant 8 : i32
    %dma_wait3A_699 = arith.constant 8 : i32
    %dma_wait3A_700 = arith.constant 0 : i32
    %dma_wait3A_701 = arith.constant 0 : i32
    %dma_wait3A_702 = arith.constant 0 : i32
    %dma_wait3A_703 = tpu.memref_slice %arg4[%dma_wait3A_699, %dma_wait3A_700, %dma_wait3A_701, %dma_wait3A_702] : memref<20x25x25x128xf32, #tpu.memory_space<vmem>> -> memref<1x25x25x128xf32, #tpu.memory_space<vmem>>
    %dma_wait3A_704 = tpu.memref_squeeze %dma_wait3A_703 : memref<1x25x25x128xf32, #tpu.memory_space<vmem>> -> memref<25x25x128xf32, #tpu.memory_space<vmem>>
    %dma_wait3A_705 = arith.constant 0 : i32
    %dma_wait3A_706 = arith.constant 0 : i32
    %dma_wait3A_707 = arith.constant 0 : i32
    %dma_wait3A_708 = tpu.memref_slice %arg0[%dma_wait3A_705, %dma_wait3A_706, %dma_wait3A_698, %dma_wait3A_707] : memref<25x25x20x128xf32, #tpu.memory_space<hbm>> -> memref<25x25x1x128xf32, #tpu.memory_space<hbm>>
    %dma_wait3A_709 = tpu.memref_squeeze %dma_wait3A_708 : memref<25x25x1x128xf32, #tpu.memory_space<hbm>> -> memref<25x25x128xf32, #tpu.memory_space<hbm>>
    tpu.wait_dma2 semaphore(%arg6 : memref<!tpu.dma_semaphore, #tpu.memory_space<semaphore_mem>>) src(%dma_wait3A_709 : memref<25x25x128xf32, #tpu.memory_space<hbm>>) dst(%dma_wait3A_704 : memref<25x25x128xf32, #tpu.memory_space<vmem>>)
    %dma_wait3A_710 = arith.constant 3 : i32
    %dma_wait3A_711 = arith.constant 1 : i32
    %dma_wait3A_712 = arith.constant 8 : i32
    %dma_wait3A_713 = arith.constant 0 : i32
    %dma_wait3A_714 = arith.constant 0 : i32
    %dma_wait3A_715 = arith.constant 0 : i32
    %dma_wait3A_716 = tpu.memref_slice %arg5[%dma_wait3A_712, %dma_wait3A_713, %dma_wait3A_714, %dma_wait3A_715] : memref<20x25x25x128xf32, #tpu.memory_space<vmem>> -> memref<1x25x25x128xf32, #tpu.memory_space<vmem>>
    %dma_wait3A_717 = tpu.memref_squeeze %dma_wait3A_716 : memref<1x25x25x128xf32, #tpu.memory_space<vmem>> -> memref<25x25x128xf32, #tpu.memory_space<vmem>>
    %dma_wait3A_718 = arith.constant 0 : i32
    %dma_wait3A_719 = arith.constant 0 : i32
    %dma_wait3A_720 = arith.constant 0 : i32
    %dma_wait3A_721 = tpu.memref_slice %arg1[%dma_wait3A_710, %dma_wait3A_718, %dma_wait3A_719, %dma_wait3A_711, %dma_wait3A_720] : memref<5x25x25x4x128xf32, #tpu.memory_space<hbm>> -> memref<1x25x25x1x128xf32, #tpu.memory_space<hbm>>
    %dma_wait3A_722 = tpu.memref_squeeze %dma_wait3A_721 : memref<1x25x25x1x128xf32, #tpu.memory_space<hbm>> -> memref<25x25x128xf32, #tpu.memory_space<hbm>>
    tpu.wait_dma2 semaphore(%arg6 : memref<!tpu.dma_semaphore, #tpu.memory_space<semaphore_mem>>) src(%dma_wait3A_722 : memref<25x25x128xf32, #tpu.memory_space<hbm>>) dst(%dma_wait3A_717 : memref<25x25x128xf32, #tpu.memory_space<vmem>>)
    %dma_wait3A_723 = arith.constant 9 : i32
    %dma_wait3A_724 = arith.constant 9 : i32
    %dma_wait3A_725 = arith.constant 0 : i32
    %dma_wait3A_726 = arith.constant 0 : i32
    %dma_wait3A_727 = arith.constant 0 : i32
    %dma_wait3A_728 = tpu.memref_slice %arg4[%dma_wait3A_724, %dma_wait3A_725, %dma_wait3A_726, %dma_wait3A_727] : memref<20x25x25x128xf32, #tpu.memory_space<vmem>> -> memref<1x25x25x128xf32, #tpu.memory_space<vmem>>
    %dma_wait3A_729 = tpu.memref_squeeze %dma_wait3A_728 : memref<1x25x25x128xf32, #tpu.memory_space<vmem>> -> memref<25x25x128xf32, #tpu.memory_space<vmem>>
    %dma_wait3A_730 = arith.constant 0 : i32
    %dma_wait3A_731 = arith.constant 0 : i32
    %dma_wait3A_732 = arith.constant 0 : i32
    %dma_wait3A_733 = tpu.memref_slice %arg0[%dma_wait3A_730, %dma_wait3A_731, %dma_wait3A_723, %dma_wait3A_732] : memref<25x25x20x128xf32, #tpu.memory_space<hbm>> -> memref<25x25x1x128xf32, #tpu.memory_space<hbm>>
    %dma_wait3A_734 = tpu.memref_squeeze %dma_wait3A_733 : memref<25x25x1x128xf32, #tpu.memory_space<hbm>> -> memref<25x25x128xf32, #tpu.memory_space<hbm>>
    tpu.wait_dma2 semaphore(%arg6 : memref<!tpu.dma_semaphore, #tpu.memory_space<semaphore_mem>>) src(%dma_wait3A_734 : memref<25x25x128xf32, #tpu.memory_space<hbm>>) dst(%dma_wait3A_729 : memref<25x25x128xf32, #tpu.memory_space<vmem>>)
    %dma_wait3A_735 = arith.constant 4 : i32
    %dma_wait3A_736 = arith.constant 1 : i32
    %dma_wait3A_737 = arith.constant 9 : i32
    %dma_wait3A_738 = arith.constant 0 : i32
    %dma_wait3A_739 = arith.constant 0 : i32
    %dma_wait3A_740 = arith.constant 0 : i32
    %dma_wait3A_741 = tpu.memref_slice %arg5[%dma_wait3A_737, %dma_wait3A_738, %dma_wait3A_739, %dma_wait3A_740] : memref<20x25x25x128xf32, #tpu.memory_space<vmem>> -> memref<1x25x25x128xf32, #tpu.memory_space<vmem>>
    %dma_wait3A_742 = tpu.memref_squeeze %dma_wait3A_741 : memref<1x25x25x128xf32, #tpu.memory_space<vmem>> -> memref<25x25x128xf32, #tpu.memory_space<vmem>>
    %dma_wait3A_743 = arith.constant 0 : i32
    %dma_wait3A_744 = arith.constant 0 : i32
    %dma_wait3A_745 = arith.constant 0 : i32
    %dma_wait3A_746 = tpu.memref_slice %arg1[%dma_wait3A_735, %dma_wait3A_743, %dma_wait3A_744, %dma_wait3A_736, %dma_wait3A_745] : memref<5x25x25x4x128xf32, #tpu.memory_space<hbm>> -> memref<1x25x25x1x128xf32, #tpu.memory_space<hbm>>
    %dma_wait3A_747 = tpu.memref_squeeze %dma_wait3A_746 : memref<1x25x25x1x128xf32, #tpu.memory_space<hbm>> -> memref<25x25x128xf32, #tpu.memory_space<hbm>>
    tpu.wait_dma2 semaphore(%arg6 : memref<!tpu.dma_semaphore, #tpu.memory_space<semaphore_mem>>) src(%dma_wait3A_747 : memref<25x25x128xf32, #tpu.memory_space<hbm>>) dst(%dma_wait3A_742 : memref<25x25x128xf32, #tpu.memory_space<vmem>>)
    %dma_wait3A_748 = arith.constant 10 : i32
    %dma_wait3A_749 = arith.constant 10 : i32
    %dma_wait3A_750 = arith.constant 0 : i32
    %dma_wait3A_751 = arith.constant 0 : i32
    %dma_wait3A_752 = arith.constant 0 : i32
    %dma_wait3A_753 = tpu.memref_slice %arg4[%dma_wait3A_749, %dma_wait3A_750, %dma_wait3A_751, %dma_wait3A_752] : memref<20x25x25x128xf32, #tpu.memory_space<vmem>> -> memref<1x25x25x128xf32, #tpu.memory_space<vmem>>
    %dma_wait3A_754 = tpu.memref_squeeze %dma_wait3A_753 : memref<1x25x25x128xf32, #tpu.memory_space<vmem>> -> memref<25x25x128xf32, #tpu.memory_space<vmem>>
    %dma_wait3A_755 = arith.constant 0 : i32
    %dma_wait3A_756 = arith.constant 0 : i32
    %dma_wait3A_757 = arith.constant 0 : i32
    %dma_wait3A_758 = tpu.memref_slice %arg0[%dma_wait3A_755, %dma_wait3A_756, %dma_wait3A_748, %dma_wait3A_757] : memref<25x25x20x128xf32, #tpu.memory_space<hbm>> -> memref<25x25x1x128xf32, #tpu.memory_space<hbm>>
    %dma_wait3A_759 = tpu.memref_squeeze %dma_wait3A_758 : memref<25x25x1x128xf32, #tpu.memory_space<hbm>> -> memref<25x25x128xf32, #tpu.memory_space<hbm>>
    tpu.wait_dma2 semaphore(%arg6 : memref<!tpu.dma_semaphore, #tpu.memory_space<semaphore_mem>>) src(%dma_wait3A_759 : memref<25x25x128xf32, #tpu.memory_space<hbm>>) dst(%dma_wait3A_754 : memref<25x25x128xf32, #tpu.memory_space<vmem>>)
    %dma_wait3A_760 = arith.constant 0 : i32
    %dma_wait3A_761 = arith.constant 2 : i32
    %dma_wait3A_762 = arith.constant 10 : i32
    %dma_wait3A_763 = arith.constant 0 : i32
    %dma_wait3A_764 = arith.constant 0 : i32
    %dma_wait3A_765 = arith.constant 0 : i32
    %dma_wait3A_766 = tpu.memref_slice %arg5[%dma_wait3A_762, %dma_wait3A_763, %dma_wait3A_764, %dma_wait3A_765] : memref<20x25x25x128xf32, #tpu.memory_space<vmem>> -> memref<1x25x25x128xf32, #tpu.memory_space<vmem>>
    %dma_wait3A_767 = tpu.memref_squeeze %dma_wait3A_766 : memref<1x25x25x128xf32, #tpu.memory_space<vmem>> -> memref<25x25x128xf32, #tpu.memory_space<vmem>>
    %dma_wait3A_768 = arith.constant 0 : i32
    %dma_wait3A_769 = arith.constant 0 : i32
    %dma_wait3A_770 = arith.constant 0 : i32
    %dma_wait3A_771 = tpu.memref_slice %arg1[%dma_wait3A_760, %dma_wait3A_768, %dma_wait3A_769, %dma_wait3A_761, %dma_wait3A_770] : memref<5x25x25x4x128xf32, #tpu.memory_space<hbm>> -> memref<1x25x25x1x128xf32, #tpu.memory_space<hbm>>
    %dma_wait3A_772 = tpu.memref_squeeze %dma_wait3A_771 : memref<1x25x25x1x128xf32, #tpu.memory_space<hbm>> -> memref<25x25x128xf32, #tpu.memory_space<hbm>>
    tpu.wait_dma2 semaphore(%arg6 : memref<!tpu.dma_semaphore, #tpu.memory_space<semaphore_mem>>) src(%dma_wait3A_772 : memref<25x25x128xf32, #tpu.memory_space<hbm>>) dst(%dma_wait3A_767 : memref<25x25x128xf32, #tpu.memory_space<vmem>>)
    %dma_wait3A_773 = arith.constant 11 : i32
    %dma_wait3A_774 = arith.constant 11 : i32
    %dma_wait3A_775 = arith.constant 0 : i32
    %dma_wait3A_776 = arith.constant 0 : i32
    %dma_wait3A_777 = arith.constant 0 : i32
    %dma_wait3A_778 = tpu.memref_slice %arg4[%dma_wait3A_774, %dma_wait3A_775, %dma_wait3A_776, %dma_wait3A_777] : memref<20x25x25x128xf32, #tpu.memory_space<vmem>> -> memref<1x25x25x128xf32, #tpu.memory_space<vmem>>
    %dma_wait3A_779 = tpu.memref_squeeze %dma_wait3A_778 : memref<1x25x25x128xf32, #tpu.memory_space<vmem>> -> memref<25x25x128xf32, #tpu.memory_space<vmem>>
    %dma_wait3A_780 = arith.constant 0 : i32
    %dma_wait3A_781 = arith.constant 0 : i32
    %dma_wait3A_782 = arith.constant 0 : i32
    %dma_wait3A_783 = tpu.memref_slice %arg0[%dma_wait3A_780, %dma_wait3A_781, %dma_wait3A_773, %dma_wait3A_782] : memref<25x25x20x128xf32, #tpu.memory_space<hbm>> -> memref<25x25x1x128xf32, #tpu.memory_space<hbm>>
    %dma_wait3A_784 = tpu.memref_squeeze %dma_wait3A_783 : memref<25x25x1x128xf32, #tpu.memory_space<hbm>> -> memref<25x25x128xf32, #tpu.memory_space<hbm>>
    tpu.wait_dma2 semaphore(%arg6 : memref<!tpu.dma_semaphore, #tpu.memory_space<semaphore_mem>>) src(%dma_wait3A_784 : memref<25x25x128xf32, #tpu.memory_space<hbm>>) dst(%dma_wait3A_779 : memref<25x25x128xf32, #tpu.memory_space<vmem>>)
    %dma_wait3A_785 = arith.constant 1 : i32
    %dma_wait3A_786 = arith.constant 2 : i32
    %dma_wait3A_787 = arith.constant 11 : i32
    %dma_wait3A_788 = arith.constant 0 : i32
    %dma_wait3A_789 = arith.constant 0 : i32
    %dma_wait3A_790 = arith.constant 0 : i32
    %dma_wait3A_791 = tpu.memref_slice %arg5[%dma_wait3A_787, %dma_wait3A_788, %dma_wait3A_789, %dma_wait3A_790] : memref<20x25x25x128xf32, #tpu.memory_space<vmem>> -> memref<1x25x25x128xf32, #tpu.memory_space<vmem>>
    %dma_wait3A_792 = tpu.memref_squeeze %dma_wait3A_791 : memref<1x25x25x128xf32, #tpu.memory_space<vmem>> -> memref<25x25x128xf32, #tpu.memory_space<vmem>>
    %dma_wait3A_793 = arith.constant 0 : i32
    %dma_wait3A_794 = arith.constant 0 : i32
    %dma_wait3A_795 = arith.constant 0 : i32
    %dma_wait3A_796 = tpu.memref_slice %arg1[%dma_wait3A_785, %dma_wait3A_793, %dma_wait3A_794, %dma_wait3A_786, %dma_wait3A_795] : memref<5x25x25x4x128xf32, #tpu.memory_space<hbm>> -> memref<1x25x25x1x128xf32, #tpu.memory_space<hbm>>
    %dma_wait3A_797 = tpu.memref_squeeze %dma_wait3A_796 : memref<1x25x25x1x128xf32, #tpu.memory_space<hbm>> -> memref<25x25x128xf32, #tpu.memory_space<hbm>>
    tpu.wait_dma2 semaphore(%arg6 : memref<!tpu.dma_semaphore, #tpu.memory_space<semaphore_mem>>) src(%dma_wait3A_797 : memref<25x25x128xf32, #tpu.memory_space<hbm>>) dst(%dma_wait3A_792 : memref<25x25x128xf32, #tpu.memory_space<vmem>>)
    %dma_wait3A_798 = arith.constant 12 : i32
    %dma_wait3A_799 = arith.constant 12 : i32
    %dma_wait3A_800 = arith.constant 0 : i32
    %dma_wait3A_801 = arith.constant 0 : i32
    %dma_wait3A_802 = arith.constant 0 : i32
    %dma_wait3A_803 = tpu.memref_slice %arg4[%dma_wait3A_799, %dma_wait3A_800, %dma_wait3A_801, %dma_wait3A_802] : memref<20x25x25x128xf32, #tpu.memory_space<vmem>> -> memref<1x25x25x128xf32, #tpu.memory_space<vmem>>
    %dma_wait3A_804 = tpu.memref_squeeze %dma_wait3A_803 : memref<1x25x25x128xf32, #tpu.memory_space<vmem>> -> memref<25x25x128xf32, #tpu.memory_space<vmem>>
    %dma_wait3A_805 = arith.constant 0 : i32
    %dma_wait3A_806 = arith.constant 0 : i32
    %dma_wait3A_807 = arith.constant 0 : i32
    %dma_wait3A_808 = tpu.memref_slice %arg0[%dma_wait3A_805, %dma_wait3A_806, %dma_wait3A_798, %dma_wait3A_807] : memref<25x25x20x128xf32, #tpu.memory_space<hbm>> -> memref<25x25x1x128xf32, #tpu.memory_space<hbm>>
    %dma_wait3A_809 = tpu.memref_squeeze %dma_wait3A_808 : memref<25x25x1x128xf32, #tpu.memory_space<hbm>> -> memref<25x25x128xf32, #tpu.memory_space<hbm>>
    tpu.wait_dma2 semaphore(%arg6 : memref<!tpu.dma_semaphore, #tpu.memory_space<semaphore_mem>>) src(%dma_wait3A_809 : memref<25x25x128xf32, #tpu.memory_space<hbm>>) dst(%dma_wait3A_804 : memref<25x25x128xf32, #tpu.memory_space<vmem>>)
    %dma_wait3A_810 = arith.constant 2 : i32
    %dma_wait3A_811 = arith.constant 2 : i32
    %dma_wait3A_812 = arith.constant 12 : i32
    %dma_wait3A_813 = arith.constant 0 : i32
    %dma_wait3A_814 = arith.constant 0 : i32
    %dma_wait3A_815 = arith.constant 0 : i32
    %dma_wait3A_816 = tpu.memref_slice %arg5[%dma_wait3A_812, %dma_wait3A_813, %dma_wait3A_814, %dma_wait3A_815] : memref<20x25x25x128xf32, #tpu.memory_space<vmem>> -> memref<1x25x25x128xf32, #tpu.memory_space<vmem>>
    %dma_wait3A_817 = tpu.memref_squeeze %dma_wait3A_816 : memref<1x25x25x128xf32, #tpu.memory_space<vmem>> -> memref<25x25x128xf32, #tpu.memory_space<vmem>>
    %dma_wait3A_818 = arith.constant 0 : i32
    %dma_wait3A_819 = arith.constant 0 : i32
    %dma_wait3A_820 = arith.constant 0 : i32
    %dma_wait3A_821 = tpu.memref_slice %arg1[%dma_wait3A_810, %dma_wait3A_818, %dma_wait3A_819, %dma_wait3A_811, %dma_wait3A_820] : memref<5x25x25x4x128xf32, #tpu.memory_space<hbm>> -> memref<1x25x25x1x128xf32, #tpu.memory_space<hbm>>
    %dma_wait3A_822 = tpu.memref_squeeze %dma_wait3A_821 : memref<1x25x25x1x128xf32, #tpu.memory_space<hbm>> -> memref<25x25x128xf32, #tpu.memory_space<hbm>>
    tpu.wait_dma2 semaphore(%arg6 : memref<!tpu.dma_semaphore, #tpu.memory_space<semaphore_mem>>) src(%dma_wait3A_822 : memref<25x25x128xf32, #tpu.memory_space<hbm>>) dst(%dma_wait3A_817 : memref<25x25x128xf32, #tpu.memory_space<vmem>>)
    %dma_wait3A_823 = arith.constant 13 : i32
    %dma_wait3A_824 = arith.constant 13 : i32
    %dma_wait3A_825 = arith.constant 0 : i32
    %dma_wait3A_826 = arith.constant 0 : i32
    %dma_wait3A_827 = arith.constant 0 : i32
    %dma_wait3A_828 = tpu.memref_slice %arg4[%dma_wait3A_824, %dma_wait3A_825, %dma_wait3A_826, %dma_wait3A_827] : memref<20x25x25x128xf32, #tpu.memory_space<vmem>> -> memref<1x25x25x128xf32, #tpu.memory_space<vmem>>
    %dma_wait3A_829 = tpu.memref_squeeze %dma_wait3A_828 : memref<1x25x25x128xf32, #tpu.memory_space<vmem>> -> memref<25x25x128xf32, #tpu.memory_space<vmem>>
    %dma_wait3A_830 = arith.constant 0 : i32
    %dma_wait3A_831 = arith.constant 0 : i32
    %dma_wait3A_832 = arith.constant 0 : i32
    %dma_wait3A_833 = tpu.memref_slice %arg0[%dma_wait3A_830, %dma_wait3A_831, %dma_wait3A_823, %dma_wait3A_832] : memref<25x25x20x128xf32, #tpu.memory_space<hbm>> -> memref<25x25x1x128xf32, #tpu.memory_space<hbm>>
    %dma_wait3A_834 = tpu.memref_squeeze %dma_wait3A_833 : memref<25x25x1x128xf32, #tpu.memory_space<hbm>> -> memref<25x25x128xf32, #tpu.memory_space<hbm>>
    tpu.wait_dma2 semaphore(%arg6 : memref<!tpu.dma_semaphore, #tpu.memory_space<semaphore_mem>>) src(%dma_wait3A_834 : memref<25x25x128xf32, #tpu.memory_space<hbm>>) dst(%dma_wait3A_829 : memref<25x25x128xf32, #tpu.memory_space<vmem>>)
    %dma_wait3A_835 = arith.constant 3 : i32
    %dma_wait3A_836 = arith.constant 2 : i32
    %dma_wait3A_837 = arith.constant 13 : i32
    %dma_wait3A_838 = arith.constant 0 : i32
    %dma_wait3A_839 = arith.constant 0 : i32
    %dma_wait3A_840 = arith.constant 0 : i32
    %dma_wait3A_841 = tpu.memref_slice %arg5[%dma_wait3A_837, %dma_wait3A_838, %dma_wait3A_839, %dma_wait3A_840] : memref<20x25x25x128xf32, #tpu.memory_space<vmem>> -> memref<1x25x25x128xf32, #tpu.memory_space<vmem>>
    %dma_wait3A_842 = tpu.memref_squeeze %dma_wait3A_841 : memref<1x25x25x128xf32, #tpu.memory_space<vmem>> -> memref<25x25x128xf32, #tpu.memory_space<vmem>>
    %dma_wait3A_843 = arith.constant 0 : i32
    %dma_wait3A_844 = arith.constant 0 : i32
    %dma_wait3A_845 = arith.constant 0 : i32
    %dma_wait3A_846 = tpu.memref_slice %arg1[%dma_wait3A_835, %dma_wait3A_843, %dma_wait3A_844, %dma_wait3A_836, %dma_wait3A_845] : memref<5x25x25x4x128xf32, #tpu.memory_space<hbm>> -> memref<1x25x25x1x128xf32, #tpu.memory_space<hbm>>
    %dma_wait3A_847 = tpu.memref_squeeze %dma_wait3A_846 : memref<1x25x25x1x128xf32, #tpu.memory_space<hbm>> -> memref<25x25x128xf32, #tpu.memory_space<hbm>>
    tpu.wait_dma2 semaphore(%arg6 : memref<!tpu.dma_semaphore, #tpu.memory_space<semaphore_mem>>) src(%dma_wait3A_847 : memref<25x25x128xf32, #tpu.memory_space<hbm>>) dst(%dma_wait3A_842 : memref<25x25x128xf32, #tpu.memory_space<vmem>>)
    %dma_wait3A_848 = arith.constant 14 : i32
    %dma_wait3A_849 = arith.constant 14 : i32
    %dma_wait3A_850 = arith.constant 0 : i32
    %dma_wait3A_851 = arith.constant 0 : i32
    %dma_wait3A_852 = arith.constant 0 : i32
    %dma_wait3A_853 = tpu.memref_slice %arg4[%dma_wait3A_849, %dma_wait3A_850, %dma_wait3A_851, %dma_wait3A_852] : memref<20x25x25x128xf32, #tpu.memory_space<vmem>> -> memref<1x25x25x128xf32, #tpu.memory_space<vmem>>
    %dma_wait3A_854 = tpu.memref_squeeze %dma_wait3A_853 : memref<1x25x25x128xf32, #tpu.memory_space<vmem>> -> memref<25x25x128xf32, #tpu.memory_space<vmem>>
    %dma_wait3A_855 = arith.constant 0 : i32
    %dma_wait3A_856 = arith.constant 0 : i32
    %dma_wait3A_857 = arith.constant 0 : i32
    %dma_wait3A_858 = tpu.memref_slice %arg0[%dma_wait3A_855, %dma_wait3A_856, %dma_wait3A_848, %dma_wait3A_857] : memref<25x25x20x128xf32, #tpu.memory_space<hbm>> -> memref<25x25x1x128xf32, #tpu.memory_space<hbm>>
    %dma_wait3A_859 = tpu.memref_squeeze %dma_wait3A_858 : memref<25x25x1x128xf32, #tpu.memory_space<hbm>> -> memref<25x25x128xf32, #tpu.memory_space<hbm>>
    tpu.wait_dma2 semaphore(%arg6 : memref<!tpu.dma_semaphore, #tpu.memory_space<semaphore_mem>>) src(%dma_wait3A_859 : memref<25x25x128xf32, #tpu.memory_space<hbm>>) dst(%dma_wait3A_854 : memref<25x25x128xf32, #tpu.memory_space<vmem>>)
    %dma_wait3A_860 = arith.constant 4 : i32
    %dma_wait3A_861 = arith.constant 2 : i32
    %dma_wait3A_862 = arith.constant 14 : i32
    %dma_wait3A_863 = arith.constant 0 : i32
    %dma_wait3A_864 = arith.constant 0 : i32
    %dma_wait3A_865 = arith.constant 0 : i32
    %dma_wait3A_866 = tpu.memref_slice %arg5[%dma_wait3A_862, %dma_wait3A_863, %dma_wait3A_864, %dma_wait3A_865] : memref<20x25x25x128xf32, #tpu.memory_space<vmem>> -> memref<1x25x25x128xf32, #tpu.memory_space<vmem>>
    %dma_wait3A_867 = tpu.memref_squeeze %dma_wait3A_866 : memref<1x25x25x128xf32, #tpu.memory_space<vmem>> -> memref<25x25x128xf32, #tpu.memory_space<vmem>>
    %dma_wait3A_868 = arith.constant 0 : i32
    %dma_wait3A_869 = arith.constant 0 : i32
    %dma_wait3A_870 = arith.constant 0 : i32
    %dma_wait3A_871 = tpu.memref_slice %arg1[%dma_wait3A_860, %dma_wait3A_868, %dma_wait3A_869, %dma_wait3A_861, %dma_wait3A_870] : memref<5x25x25x4x128xf32, #tpu.memory_space<hbm>> -> memref<1x25x25x1x128xf32, #tpu.memory_space<hbm>>
    %dma_wait3A_872 = tpu.memref_squeeze %dma_wait3A_871 : memref<1x25x25x1x128xf32, #tpu.memory_space<hbm>> -> memref<25x25x128xf32, #tpu.memory_space<hbm>>
    tpu.wait_dma2 semaphore(%arg6 : memref<!tpu.dma_semaphore, #tpu.memory_space<semaphore_mem>>) src(%dma_wait3A_872 : memref<25x25x128xf32, #tpu.memory_space<hbm>>) dst(%dma_wait3A_867 : memref<25x25x128xf32, #tpu.memory_space<vmem>>)
    %dma_wait3A_873 = arith.constant 15 : i32
    %dma_wait3A_874 = arith.constant 15 : i32
    %dma_wait3A_875 = arith.constant 0 : i32
    %dma_wait3A_876 = arith.constant 0 : i32
    %dma_wait3A_877 = arith.constant 0 : i32
    %dma_wait3A_878 = tpu.memref_slice %arg4[%dma_wait3A_874, %dma_wait3A_875, %dma_wait3A_876, %dma_wait3A_877] : memref<20x25x25x128xf32, #tpu.memory_space<vmem>> -> memref<1x25x25x128xf32, #tpu.memory_space<vmem>>
    %dma_wait3A_879 = tpu.memref_squeeze %dma_wait3A_878 : memref<1x25x25x128xf32, #tpu.memory_space<vmem>> -> memref<25x25x128xf32, #tpu.memory_space<vmem>>
    %dma_wait3A_880 = arith.constant 0 : i32
    %dma_wait3A_881 = arith.constant 0 : i32
    %dma_wait3A_882 = arith.constant 0 : i32
    %dma_wait3A_883 = tpu.memref_slice %arg0[%dma_wait3A_880, %dma_wait3A_881, %dma_wait3A_873, %dma_wait3A_882] : memref<25x25x20x128xf32, #tpu.memory_space<hbm>> -> memref<25x25x1x128xf32, #tpu.memory_space<hbm>>
    %dma_wait3A_884 = tpu.memref_squeeze %dma_wait3A_883 : memref<25x25x1x128xf32, #tpu.memory_space<hbm>> -> memref<25x25x128xf32, #tpu.memory_space<hbm>>
    tpu.wait_dma2 semaphore(%arg6 : memref<!tpu.dma_semaphore, #tpu.memory_space<semaphore_mem>>) src(%dma_wait3A_884 : memref<25x25x128xf32, #tpu.memory_space<hbm>>) dst(%dma_wait3A_879 : memref<25x25x128xf32, #tpu.memory_space<vmem>>)
    %dma_wait3A_885 = arith.constant 0 : i32
    %dma_wait3A_886 = arith.constant 3 : i32
    %dma_wait3A_887 = arith.constant 15 : i32
    %dma_wait3A_888 = arith.constant 0 : i32
    %dma_wait3A_889 = arith.constant 0 : i32
    %dma_wait3A_890 = arith.constant 0 : i32
    %dma_wait3A_891 = tpu.memref_slice %arg5[%dma_wait3A_887, %dma_wait3A_888, %dma_wait3A_889, %dma_wait3A_890] : memref<20x25x25x128xf32, #tpu.memory_space<vmem>> -> memref<1x25x25x128xf32, #tpu.memory_space<vmem>>
    %dma_wait3A_892 = tpu.memref_squeeze %dma_wait3A_891 : memref<1x25x25x128xf32, #tpu.memory_space<vmem>> -> memref<25x25x128xf32, #tpu.memory_space<vmem>>
    %dma_wait3A_893 = arith.constant 0 : i32
    %dma_wait3A_894 = arith.constant 0 : i32
    %dma_wait3A_895 = arith.constant 0 : i32
    %dma_wait3A_896 = tpu.memref_slice %arg1[%dma_wait3A_885, %dma_wait3A_893, %dma_wait3A_894, %dma_wait3A_886, %dma_wait3A_895] : memref<5x25x25x4x128xf32, #tpu.memory_space<hbm>> -> memref<1x25x25x1x128xf32, #tpu.memory_space<hbm>>
    %dma_wait3A_897 = tpu.memref_squeeze %dma_wait3A_896 : memref<1x25x25x1x128xf32, #tpu.memory_space<hbm>> -> memref<25x25x128xf32, #tpu.memory_space<hbm>>
    tpu.wait_dma2 semaphore(%arg6 : memref<!tpu.dma_semaphore, #tpu.memory_space<semaphore_mem>>) src(%dma_wait3A_897 : memref<25x25x128xf32, #tpu.memory_space<hbm>>) dst(%dma_wait3A_892 : memref<25x25x128xf32, #tpu.memory_space<vmem>>)
    %dma_wait3A_898 = arith.constant 16 : i32
    %dma_wait3A_899 = arith.constant 16 : i32
    %dma_wait3A_900 = arith.constant 0 : i32
    %dma_wait3A_901 = arith.constant 0 : i32
    %dma_wait3A_902 = arith.constant 0 : i32
    %dma_wait3A_903 = tpu.memref_slice %arg4[%dma_wait3A_899, %dma_wait3A_900, %dma_wait3A_901, %dma_wait3A_902] : memref<20x25x25x128xf32, #tpu.memory_space<vmem>> -> memref<1x25x25x128xf32, #tpu.memory_space<vmem>>
    %dma_wait3A_904 = tpu.memref_squeeze %dma_wait3A_903 : memref<1x25x25x128xf32, #tpu.memory_space<vmem>> -> memref<25x25x128xf32, #tpu.memory_space<vmem>>
    %dma_wait3A_905 = arith.constant 0 : i32
    %dma_wait3A_906 = arith.constant 0 : i32
    %dma_wait3A_907 = arith.constant 0 : i32
    %dma_wait3A_908 = tpu.memref_slice %arg0[%dma_wait3A_905, %dma_wait3A_906, %dma_wait3A_898, %dma_wait3A_907] : memref<25x25x20x128xf32, #tpu.memory_space<hbm>> -> memref<25x25x1x128xf32, #tpu.memory_space<hbm>>
    %dma_wait3A_909 = tpu.memref_squeeze %dma_wait3A_908 : memref<25x25x1x128xf32, #tpu.memory_space<hbm>> -> memref<25x25x128xf32, #tpu.memory_space<hbm>>
    tpu.wait_dma2 semaphore(%arg6 : memref<!tpu.dma_semaphore, #tpu.memory_space<semaphore_mem>>) src(%dma_wait3A_909 : memref<25x25x128xf32, #tpu.memory_space<hbm>>) dst(%dma_wait3A_904 : memref<25x25x128xf32, #tpu.memory_space<vmem>>)
    %dma_wait3A_910 = arith.constant 1 : i32
    %dma_wait3A_911 = arith.constant 3 : i32
    %dma_wait3A_912 = arith.constant 16 : i32
    %dma_wait3A_913 = arith.constant 0 : i32
    %dma_wait3A_914 = arith.constant 0 : i32
    %dma_wait3A_915 = arith.constant 0 : i32
    %dma_wait3A_916 = tpu.memref_slice %arg5[%dma_wait3A_912, %dma_wait3A_913, %dma_wait3A_914, %dma_wait3A_915] : memref<20x25x25x128xf32, #tpu.memory_space<vmem>> -> memref<1x25x25x128xf32, #tpu.memory_space<vmem>>
    %dma_wait3A_917 = tpu.memref_squeeze %dma_wait3A_916 : memref<1x25x25x128xf32, #tpu.memory_space<vmem>> -> memref<25x25x128xf32, #tpu.memory_space<vmem>>
    %dma_wait3A_918 = arith.constant 0 : i32
    %dma_wait3A_919 = arith.constant 0 : i32
    %dma_wait3A_920 = arith.constant 0 : i32
    %dma_wait3A_921 = tpu.memref_slice %arg1[%dma_wait3A_910, %dma_wait3A_918, %dma_wait3A_919, %dma_wait3A_911, %dma_wait3A_920] : memref<5x25x25x4x128xf32, #tpu.memory_space<hbm>> -> memref<1x25x25x1x128xf32, #tpu.memory_space<hbm>>
    %dma_wait3A_922 = tpu.memref_squeeze %dma_wait3A_921 : memref<1x25x25x1x128xf32, #tpu.memory_space<hbm>> -> memref<25x25x128xf32, #tpu.memory_space<hbm>>
    tpu.wait_dma2 semaphore(%arg6 : memref<!tpu.dma_semaphore, #tpu.memory_space<semaphore_mem>>) src(%dma_wait3A_922 : memref<25x25x128xf32, #tpu.memory_space<hbm>>) dst(%dma_wait3A_917 : memref<25x25x128xf32, #tpu.memory_space<vmem>>)
    %dma_wait3A_923 = arith.constant 17 : i32
    %dma_wait3A_924 = arith.constant 17 : i32
    %dma_wait3A_925 = arith.constant 0 : i32
    %dma_wait3A_926 = arith.constant 0 : i32
    %dma_wait3A_927 = arith.constant 0 : i32
    %dma_wait3A_928 = tpu.memref_slice %arg4[%dma_wait3A_924, %dma_wait3A_925, %dma_wait3A_926, %dma_wait3A_927] : memref<20x25x25x128xf32, #tpu.memory_space<vmem>> -> memref<1x25x25x128xf32, #tpu.memory_space<vmem>>
    %dma_wait3A_929 = tpu.memref_squeeze %dma_wait3A_928 : memref<1x25x25x128xf32, #tpu.memory_space<vmem>> -> memref<25x25x128xf32, #tpu.memory_space<vmem>>
    %dma_wait3A_930 = arith.constant 0 : i32
    %dma_wait3A_931 = arith.constant 0 : i32
    %dma_wait3A_932 = arith.constant 0 : i32
    %dma_wait3A_933 = tpu.memref_slice %arg0[%dma_wait3A_930, %dma_wait3A_931, %dma_wait3A_923, %dma_wait3A_932] : memref<25x25x20x128xf32, #tpu.memory_space<hbm>> -> memref<25x25x1x128xf32, #tpu.memory_space<hbm>>
    %dma_wait3A_934 = tpu.memref_squeeze %dma_wait3A_933 : memref<25x25x1x128xf32, #tpu.memory_space<hbm>> -> memref<25x25x128xf32, #tpu.memory_space<hbm>>
    tpu.wait_dma2 semaphore(%arg6 : memref<!tpu.dma_semaphore, #tpu.memory_space<semaphore_mem>>) src(%dma_wait3A_934 : memref<25x25x128xf32, #tpu.memory_space<hbm>>) dst(%dma_wait3A_929 : memref<25x25x128xf32, #tpu.memory_space<vmem>>)
    %dma_wait3A_935 = arith.constant 2 : i32
    %dma_wait3A_936 = arith.constant 3 : i32
    %dma_wait3A_937 = arith.constant 17 : i32
    %dma_wait3A_938 = arith.constant 0 : i32
    %dma_wait3A_939 = arith.constant 0 : i32
    %dma_wait3A_940 = arith.constant 0 : i32
    %dma_wait3A_941 = tpu.memref_slice %arg5[%dma_wait3A_937, %dma_wait3A_938, %dma_wait3A_939, %dma_wait3A_940] : memref<20x25x25x128xf32, #tpu.memory_space<vmem>> -> memref<1x25x25x128xf32, #tpu.memory_space<vmem>>
    %dma_wait3A_942 = tpu.memref_squeeze %dma_wait3A_941 : memref<1x25x25x128xf32, #tpu.memory_space<vmem>> -> memref<25x25x128xf32, #tpu.memory_space<vmem>>
    %dma_wait3A_943 = arith.constant 0 : i32
    %dma_wait3A_944 = arith.constant 0 : i32
    %dma_wait3A_945 = arith.constant 0 : i32
    %dma_wait3A_946 = tpu.memref_slice %arg1[%dma_wait3A_935, %dma_wait3A_943, %dma_wait3A_944, %dma_wait3A_936, %dma_wait3A_945] : memref<5x25x25x4x128xf32, #tpu.memory_space<hbm>> -> memref<1x25x25x1x128xf32, #tpu.memory_space<hbm>>
    %dma_wait3A_947 = tpu.memref_squeeze %dma_wait3A_946 : memref<1x25x25x1x128xf32, #tpu.memory_space<hbm>> -> memref<25x25x128xf32, #tpu.memory_space<hbm>>
    tpu.wait_dma2 semaphore(%arg6 : memref<!tpu.dma_semaphore, #tpu.memory_space<semaphore_mem>>) src(%dma_wait3A_947 : memref<25x25x128xf32, #tpu.memory_space<hbm>>) dst(%dma_wait3A_942 : memref<25x25x128xf32, #tpu.memory_space<vmem>>)
    %dma_wait3A_948 = arith.constant 18 : i32
    %dma_wait3A_949 = arith.constant 18 : i32
    %dma_wait3A_950 = arith.constant 0 : i32
    %dma_wait3A_951 = arith.constant 0 : i32
    %dma_wait3A_952 = arith.constant 0 : i32
    %dma_wait3A_953 = tpu.memref_slice %arg4[%dma_wait3A_949, %dma_wait3A_950, %dma_wait3A_951, %dma_wait3A_952] : memref<20x25x25x128xf32, #tpu.memory_space<vmem>> -> memref<1x25x25x128xf32, #tpu.memory_space<vmem>>
    %dma_wait3A_954 = tpu.memref_squeeze %dma_wait3A_953 : memref<1x25x25x128xf32, #tpu.memory_space<vmem>> -> memref<25x25x128xf32, #tpu.memory_space<vmem>>
    %dma_wait3A_955 = arith.constant 0 : i32
    %dma_wait3A_956 = arith.constant 0 : i32
    %dma_wait3A_957 = arith.constant 0 : i32
    %dma_wait3A_958 = tpu.memref_slice %arg0[%dma_wait3A_955, %dma_wait3A_956, %dma_wait3A_948, %dma_wait3A_957] : memref<25x25x20x128xf32, #tpu.memory_space<hbm>> -> memref<25x25x1x128xf32, #tpu.memory_space<hbm>>
    %dma_wait3A_959 = tpu.memref_squeeze %dma_wait3A_958 : memref<25x25x1x128xf32, #tpu.memory_space<hbm>> -> memref<25x25x128xf32, #tpu.memory_space<hbm>>
    tpu.wait_dma2 semaphore(%arg6 : memref<!tpu.dma_semaphore, #tpu.memory_space<semaphore_mem>>) src(%dma_wait3A_959 : memref<25x25x128xf32, #tpu.memory_space<hbm>>) dst(%dma_wait3A_954 : memref<25x25x128xf32, #tpu.memory_space<vmem>>)
    %dma_wait3A_960 = arith.constant 3 : i32
    %dma_wait3A_961 = arith.constant 3 : i32
    %dma_wait3A_962 = arith.constant 18 : i32
    %dma_wait3A_963 = arith.constant 0 : i32
    %dma_wait3A_964 = arith.constant 0 : i32
    %dma_wait3A_965 = arith.constant 0 : i32
    %dma_wait3A_966 = tpu.memref_slice %arg5[%dma_wait3A_962, %dma_wait3A_963, %dma_wait3A_964, %dma_wait3A_965] : memref<20x25x25x128xf32, #tpu.memory_space<vmem>> -> memref<1x25x25x128xf32, #tpu.memory_space<vmem>>
    %dma_wait3A_967 = tpu.memref_squeeze %dma_wait3A_966 : memref<1x25x25x128xf32, #tpu.memory_space<vmem>> -> memref<25x25x128xf32, #tpu.memory_space<vmem>>
    %dma_wait3A_968 = arith.constant 0 : i32
    %dma_wait3A_969 = arith.constant 0 : i32
    %dma_wait3A_970 = arith.constant 0 : i32
    %dma_wait3A_971 = tpu.memref_slice %arg1[%dma_wait3A_960, %dma_wait3A_968, %dma_wait3A_969, %dma_wait3A_961, %dma_wait3A_970] : memref<5x25x25x4x128xf32, #tpu.memory_space<hbm>> -> memref<1x25x25x1x128xf32, #tpu.memory_space<hbm>>
    %dma_wait3A_972 = tpu.memref_squeeze %dma_wait3A_971 : memref<1x25x25x1x128xf32, #tpu.memory_space<hbm>> -> memref<25x25x128xf32, #tpu.memory_space<hbm>>
    tpu.wait_dma2 semaphore(%arg6 : memref<!tpu.dma_semaphore, #tpu.memory_space<semaphore_mem>>) src(%dma_wait3A_972 : memref<25x25x128xf32, #tpu.memory_space<hbm>>) dst(%dma_wait3A_967 : memref<25x25x128xf32, #tpu.memory_space<vmem>>)
    %dma_wait3A_973 = arith.constant 19 : i32
    %dma_wait3A_974 = arith.constant 19 : i32
    %dma_wait3A_975 = arith.constant 0 : i32
    %dma_wait3A_976 = arith.constant 0 : i32
    %dma_wait3A_977 = arith.constant 0 : i32
    %dma_wait3A_978 = tpu.memref_slice %arg4[%dma_wait3A_974, %dma_wait3A_975, %dma_wait3A_976, %dma_wait3A_977] : memref<20x25x25x128xf32, #tpu.memory_space<vmem>> -> memref<1x25x25x128xf32, #tpu.memory_space<vmem>>
    %dma_wait3A_979 = tpu.memref_squeeze %dma_wait3A_978 : memref<1x25x25x128xf32, #tpu.memory_space<vmem>> -> memref<25x25x128xf32, #tpu.memory_space<vmem>>
    %dma_wait3A_980 = arith.constant 0 : i32
    %dma_wait3A_981 = arith.constant 0 : i32
    %dma_wait3A_982 = arith.constant 0 : i32
    %dma_wait3A_983 = tpu.memref_slice %arg0[%dma_wait3A_980, %dma_wait3A_981, %dma_wait3A_973, %dma_wait3A_982] : memref<25x25x20x128xf32, #tpu.memory_space<hbm>> -> memref<25x25x1x128xf32, #tpu.memory_space<hbm>>
    %dma_wait3A_984 = tpu.memref_squeeze %dma_wait3A_983 : memref<25x25x1x128xf32, #tpu.memory_space<hbm>> -> memref<25x25x128xf32, #tpu.memory_space<hbm>>
    tpu.wait_dma2 semaphore(%arg6 : memref<!tpu.dma_semaphore, #tpu.memory_space<semaphore_mem>>) src(%dma_wait3A_984 : memref<25x25x128xf32, #tpu.memory_space<hbm>>) dst(%dma_wait3A_979 : memref<25x25x128xf32, #tpu.memory_space<vmem>>)
    %dma_wait3A_985 = arith.constant 4 : i32
    %dma_wait3A_986 = arith.constant 3 : i32
    %dma_wait3A_987 = arith.constant 19 : i32
    %dma_wait3A_988 = arith.constant 0 : i32
    %dma_wait3A_989 = arith.constant 0 : i32
    %dma_wait3A_990 = arith.constant 0 : i32
    %dma_wait3A_991 = tpu.memref_slice %arg5[%dma_wait3A_987, %dma_wait3A_988, %dma_wait3A_989, %dma_wait3A_990] : memref<20x25x25x128xf32, #tpu.memory_space<vmem>> -> memref<1x25x25x128xf32, #tpu.memory_space<vmem>>
    %dma_wait3A_992 = tpu.memref_squeeze %dma_wait3A_991 : memref<1x25x25x128xf32, #tpu.memory_space<vmem>> -> memref<25x25x128xf32, #tpu.memory_space<vmem>>
    %dma_wait3A_993 = arith.constant 0 : i32
    %dma_wait3A_994 = arith.constant 0 : i32
    %dma_wait3A_995 = arith.constant 0 : i32
    %dma_wait3A_996 = tpu.memref_slice %arg1[%dma_wait3A_985, %dma_wait3A_993, %dma_wait3A_994, %dma_wait3A_986, %dma_wait3A_995] : memref<5x25x25x4x128xf32, #tpu.memory_space<hbm>> -> memref<1x25x25x1x128xf32, #tpu.memory_space<hbm>>
    %dma_wait3A_997 = tpu.memref_squeeze %dma_wait3A_996 : memref<1x25x25x1x128xf32, #tpu.memory_space<hbm>> -> memref<25x25x128xf32, #tpu.memory_space<hbm>>
    tpu.wait_dma2 semaphore(%arg6 : memref<!tpu.dma_semaphore, #tpu.memory_space<semaphore_mem>>) src(%dma_wait3A_997 : memref<25x25x128xf32, #tpu.memory_space<hbm>>) dst(%dma_wait3A_992 : memref<25x25x128xf32, #tpu.memory_space<vmem>>)
    %get3A = arith.constant 0 : index
    %get3A_998 = arith.constant 0 : index
    %get3A_999 = arith.constant 0 : index
    %get3A_1000 = arith.constant 0 : index
    %get3A_1001 = vector.load %arg2[%get3A, %get3A_998, %get3A_999, %get3A_1000] : memref<5x25x25x128xf32, #tpu.memory_space<vmem>>, vector<5x25x25x128xf32>
    %broadcast_in_dim3A = arith.constant 0.000000e+00 : f32
    %broadcast_in_dim3A_1002 = vector.broadcast %broadcast_in_dim3A : f32 to vector<25x25x128xf32>
    %get3A_1003 = arith.constant 0 : index
    %get3A_1004 = arith.constant 0 : index
    %get3A_1005 = arith.constant 0 : index
    %get3A_1006 = arith.constant 0 : index
    %get3A_1007 = vector.load %arg4[%get3A_1003, %get3A_1004, %get3A_1005, %get3A_1006] : memref<20x25x25x128xf32, #tpu.memory_space<vmem>>, vector<1x25x25x128xf32>
    %get3A_1008 = vector.shape_cast %get3A_1007 : vector<1x25x25x128xf32> to vector<25x25x128xf32>
    %get3A_1009 = arith.constant 0 : index
    %get3A_1010 = arith.constant 0 : index
    %get3A_1011 = arith.constant 0 : index
    %get3A_1012 = arith.constant 0 : index
    %get3A_1013 = vector.load %arg5[%get3A_1009, %get3A_1010, %get3A_1011, %get3A_1012] : memref<20x25x25x128xf32, #tpu.memory_space<vmem>>, vector<1x25x25x128xf32>
    %get3A_1014 = vector.shape_cast %get3A_1013 : vector<1x25x25x128xf32> to vector<25x25x128xf32>
    %sub3A = arith.subf %get3A_1008, %get3A_1014 : vector<25x25x128xf32>
    %abs3A = math.absf %sub3A : vector<25x25x128xf32>
    %slice3A = vector.extract_strided_slice %get3A_1001 {offsets = [0, 0, 0, 0], sizes = [1, 25, 25, 128], strides = [1, 1, 1, 1]} : vector<5x25x25x128xf32> to vector<1x25x25x128xf32>
    %squeeze3A = vector.shape_cast %slice3A : vector<1x25x25x128xf32> to vector<25x25x128xf32>
    %mul3A = arith.mulf %abs3A, %squeeze3A : vector<25x25x128xf32>
    %add3A = arith.addf %broadcast_in_dim3A_1002, %mul3A : vector<25x25x128xf32>
    %get3A_1015 = arith.constant 1 : index
    %get3A_1016 = arith.constant 0 : index
    %get3A_1017 = arith.constant 0 : index
    %get3A_1018 = arith.constant 0 : index
    %get3A_1019 = vector.load %arg4[%get3A_1015, %get3A_1016, %get3A_1017, %get3A_1018] : memref<20x25x25x128xf32, #tpu.memory_space<vmem>>, vector<1x25x25x128xf32>
    %get3A_1020 = vector.shape_cast %get3A_1019 : vector<1x25x25x128xf32> to vector<25x25x128xf32>
    %get3A_1021 = arith.constant 1 : index
    %get3A_1022 = arith.constant 0 : index
    %get3A_1023 = arith.constant 0 : index
    %get3A_1024 = arith.constant 0 : index
    %get3A_1025 = vector.load %arg5[%get3A_1021, %get3A_1022, %get3A_1023, %get3A_1024] : memref<20x25x25x128xf32, #tpu.memory_space<vmem>>, vector<1x25x25x128xf32>
    %get3A_1026 = vector.shape_cast %get3A_1025 : vector<1x25x25x128xf32> to vector<25x25x128xf32>
    %sub3A_1027 = arith.subf %get3A_1020, %get3A_1026 : vector<25x25x128xf32>
    %abs3A_1028 = math.absf %sub3A_1027 : vector<25x25x128xf32>
    %slice3A_1029 = vector.extract_strided_slice %get3A_1001 {offsets = [1, 0, 0, 0], sizes = [1, 25, 25, 128], strides = [1, 1, 1, 1]} : vector<5x25x25x128xf32> to vector<1x25x25x128xf32>
    %squeeze3A_1030 = vector.shape_cast %slice3A_1029 : vector<1x25x25x128xf32> to vector<25x25x128xf32>
    %mul3A_1031 = arith.mulf %abs3A_1028, %squeeze3A_1030 : vector<25x25x128xf32>
    %add3A_1032 = arith.addf %add3A, %mul3A_1031 : vector<25x25x128xf32>
    %get3A_1033 = arith.constant 2 : index
    %get3A_1034 = arith.constant 0 : index
    %get3A_1035 = arith.constant 0 : index
    %get3A_1036 = arith.constant 0 : index
    %get3A_1037 = vector.load %arg4[%get3A_1033, %get3A_1034, %get3A_1035, %get3A_1036] : memref<20x25x25x128xf32, #tpu.memory_space<vmem>>, vector<1x25x25x128xf32>
    %get3A_1038 = vector.shape_cast %get3A_1037 : vector<1x25x25x128xf32> to vector<25x25x128xf32>
    %get3A_1039 = arith.constant 2 : index
    %get3A_1040 = arith.constant 0 : index
    %get3A_1041 = arith.constant 0 : index
    %get3A_1042 = arith.constant 0 : index
    %get3A_1043 = vector.load %arg5[%get3A_1039, %get3A_1040, %get3A_1041, %get3A_1042] : memref<20x25x25x128xf32, #tpu.memory_space<vmem>>, vector<1x25x25x128xf32>
    %get3A_1044 = vector.shape_cast %get3A_1043 : vector<1x25x25x128xf32> to vector<25x25x128xf32>
    %sub3A_1045 = arith.subf %get3A_1038, %get3A_1044 : vector<25x25x128xf32>
    %abs3A_1046 = math.absf %sub3A_1045 : vector<25x25x128xf32>
    %slice3A_1047 = vector.extract_strided_slice %get3A_1001 {offsets = [2, 0, 0, 0], sizes = [1, 25, 25, 128], strides = [1, 1, 1, 1]} : vector<5x25x25x128xf32> to vector<1x25x25x128xf32>
    %squeeze3A_1048 = vector.shape_cast %slice3A_1047 : vector<1x25x25x128xf32> to vector<25x25x128xf32>
    %mul3A_1049 = arith.mulf %abs3A_1046, %squeeze3A_1048 : vector<25x25x128xf32>
    %add3A_1050 = arith.addf %add3A_1032, %mul3A_1049 : vector<25x25x128xf32>
    %get3A_1051 = arith.constant 3 : index
    %get3A_1052 = arith.constant 0 : index
    %get3A_1053 = arith.constant 0 : index
    %get3A_1054 = arith.constant 0 : index
    %get3A_1055 = vector.load %arg4[%get3A_1051, %get3A_1052, %get3A_1053, %get3A_1054] : memref<20x25x25x128xf32, #tpu.memory_space<vmem>>, vector<1x25x25x128xf32>
    %get3A_1056 = vector.shape_cast %get3A_1055 : vector<1x25x25x128xf32> to vector<25x25x128xf32>
    %get3A_1057 = arith.constant 3 : index
    %get3A_1058 = arith.constant 0 : index
    %get3A_1059 = arith.constant 0 : index
    %get3A_1060 = arith.constant 0 : index
    %get3A_1061 = vector.load %arg5[%get3A_1057, %get3A_1058, %get3A_1059, %get3A_1060] : memref<20x25x25x128xf32, #tpu.memory_space<vmem>>, vector<1x25x25x128xf32>
    %get3A_1062 = vector.shape_cast %get3A_1061 : vector<1x25x25x128xf32> to vector<25x25x128xf32>
    %sub3A_1063 = arith.subf %get3A_1056, %get3A_1062 : vector<25x25x128xf32>
    %abs3A_1064 = math.absf %sub3A_1063 : vector<25x25x128xf32>
    %slice3A_1065 = vector.extract_strided_slice %get3A_1001 {offsets = [3, 0, 0, 0], sizes = [1, 25, 25, 128], strides = [1, 1, 1, 1]} : vector<5x25x25x128xf32> to vector<1x25x25x128xf32>
    %squeeze3A_1066 = vector.shape_cast %slice3A_1065 : vector<1x25x25x128xf32> to vector<25x25x128xf32>
    %mul3A_1067 = arith.mulf %abs3A_1064, %squeeze3A_1066 : vector<25x25x128xf32>
    %add3A_1068 = arith.addf %add3A_1050, %mul3A_1067 : vector<25x25x128xf32>
    %get3A_1069 = arith.constant 4 : index
    %get3A_1070 = arith.constant 0 : index
    %get3A_1071 = arith.constant 0 : index
    %get3A_1072 = arith.constant 0 : index
    %get3A_1073 = vector.load %arg4[%get3A_1069, %get3A_1070, %get3A_1071, %get3A_1072] : memref<20x25x25x128xf32, #tpu.memory_space<vmem>>, vector<1x25x25x128xf32>
    %get3A_1074 = vector.shape_cast %get3A_1073 : vector<1x25x25x128xf32> to vector<25x25x128xf32>
    %get3A_1075 = arith.constant 4 : index
    %get3A_1076 = arith.constant 0 : index
    %get3A_1077 = arith.constant 0 : index
    %get3A_1078 = arith.constant 0 : index
    %get3A_1079 = vector.load %arg5[%get3A_1075, %get3A_1076, %get3A_1077, %get3A_1078] : memref<20x25x25x128xf32, #tpu.memory_space<vmem>>, vector<1x25x25x128xf32>
    %get3A_1080 = vector.shape_cast %get3A_1079 : vector<1x25x25x128xf32> to vector<25x25x128xf32>
    %sub3A_1081 = arith.subf %get3A_1074, %get3A_1080 : vector<25x25x128xf32>
    %abs3A_1082 = math.absf %sub3A_1081 : vector<25x25x128xf32>
    %slice3A_1083 = vector.extract_strided_slice %get3A_1001 {offsets = [4, 0, 0, 0], sizes = [1, 25, 25, 128], strides = [1, 1, 1, 1]} : vector<5x25x25x128xf32> to vector<1x25x25x128xf32>
    %squeeze3A_1084 = vector.shape_cast %slice3A_1083 : vector<1x25x25x128xf32> to vector<25x25x128xf32>
    %mul3A_1085 = arith.mulf %abs3A_1082, %squeeze3A_1084 : vector<25x25x128xf32>
    %add3A_1086 = arith.addf %add3A_1068, %mul3A_1085 : vector<25x25x128xf32>
    %get3A_1087 = arith.constant 5 : index
    %get3A_1088 = arith.constant 0 : index
    %get3A_1089 = arith.constant 0 : index
    %get3A_1090 = arith.constant 0 : index
    %get3A_1091 = vector.load %arg4[%get3A_1087, %get3A_1088, %get3A_1089, %get3A_1090] : memref<20x25x25x128xf32, #tpu.memory_space<vmem>>, vector<1x25x25x128xf32>
    %get3A_1092 = vector.shape_cast %get3A_1091 : vector<1x25x25x128xf32> to vector<25x25x128xf32>
    %get3A_1093 = arith.constant 5 : index
    %get3A_1094 = arith.constant 0 : index
    %get3A_1095 = arith.constant 0 : index
    %get3A_1096 = arith.constant 0 : index
    %get3A_1097 = vector.load %arg5[%get3A_1093, %get3A_1094, %get3A_1095, %get3A_1096] : memref<20x25x25x128xf32, #tpu.memory_space<vmem>>, vector<1x25x25x128xf32>
    %get3A_1098 = vector.shape_cast %get3A_1097 : vector<1x25x25x128xf32> to vector<25x25x128xf32>
    %sub3A_1099 = arith.subf %get3A_1092, %get3A_1098 : vector<25x25x128xf32>
    %abs3A_1100 = math.absf %sub3A_1099 : vector<25x25x128xf32>
    %slice3A_1101 = vector.extract_strided_slice %get3A_1001 {offsets = [0, 0, 0, 0], sizes = [1, 25, 25, 128], strides = [1, 1, 1, 1]} : vector<5x25x25x128xf32> to vector<1x25x25x128xf32>
    %squeeze3A_1102 = vector.shape_cast %slice3A_1101 : vector<1x25x25x128xf32> to vector<25x25x128xf32>
    %mul3A_1103 = arith.mulf %abs3A_1100, %squeeze3A_1102 : vector<25x25x128xf32>
    %add3A_1104 = arith.addf %add3A_1086, %mul3A_1103 : vector<25x25x128xf32>
    %get3A_1105 = arith.constant 6 : index
    %get3A_1106 = arith.constant 0 : index
    %get3A_1107 = arith.constant 0 : index
    %get3A_1108 = arith.constant 0 : index
    %get3A_1109 = vector.load %arg4[%get3A_1105, %get3A_1106, %get3A_1107, %get3A_1108] : memref<20x25x25x128xf32, #tpu.memory_space<vmem>>, vector<1x25x25x128xf32>
    %get3A_1110 = vector.shape_cast %get3A_1109 : vector<1x25x25x128xf32> to vector<25x25x128xf32>
    %get3A_1111 = arith.constant 6 : index
    %get3A_1112 = arith.constant 0 : index
    %get3A_1113 = arith.constant 0 : index
    %get3A_1114 = arith.constant 0 : index
    %get3A_1115 = vector.load %arg5[%get3A_1111, %get3A_1112, %get3A_1113, %get3A_1114] : memref<20x25x25x128xf32, #tpu.memory_space<vmem>>, vector<1x25x25x128xf32>
    %get3A_1116 = vector.shape_cast %get3A_1115 : vector<1x25x25x128xf32> to vector<25x25x128xf32>
    %sub3A_1117 = arith.subf %get3A_1110, %get3A_1116 : vector<25x25x128xf32>
    %abs3A_1118 = math.absf %sub3A_1117 : vector<25x25x128xf32>
    %slice3A_1119 = vector.extract_strided_slice %get3A_1001 {offsets = [1, 0, 0, 0], sizes = [1, 25, 25, 128], strides = [1, 1, 1, 1]} : vector<5x25x25x128xf32> to vector<1x25x25x128xf32>
    %squeeze3A_1120 = vector.shape_cast %slice3A_1119 : vector<1x25x25x128xf32> to vector<25x25x128xf32>
    %mul3A_1121 = arith.mulf %abs3A_1118, %squeeze3A_1120 : vector<25x25x128xf32>
    %add3A_1122 = arith.addf %add3A_1104, %mul3A_1121 : vector<25x25x128xf32>
    %get3A_1123 = arith.constant 7 : index
    %get3A_1124 = arith.constant 0 : index
    %get3A_1125 = arith.constant 0 : index
    %get3A_1126 = arith.constant 0 : index
    %get3A_1127 = vector.load %arg4[%get3A_1123, %get3A_1124, %get3A_1125, %get3A_1126] : memref<20x25x25x128xf32, #tpu.memory_space<vmem>>, vector<1x25x25x128xf32>
    %get3A_1128 = vector.shape_cast %get3A_1127 : vector<1x25x25x128xf32> to vector<25x25x128xf32>
    %get3A_1129 = arith.constant 7 : index
    %get3A_1130 = arith.constant 0 : index
    %get3A_1131 = arith.constant 0 : index
    %get3A_1132 = arith.constant 0 : index
    %get3A_1133 = vector.load %arg5[%get3A_1129, %get3A_1130, %get3A_1131, %get3A_1132] : memref<20x25x25x128xf32, #tpu.memory_space<vmem>>, vector<1x25x25x128xf32>
    %get3A_1134 = vector.shape_cast %get3A_1133 : vector<1x25x25x128xf32> to vector<25x25x128xf32>
    %sub3A_1135 = arith.subf %get3A_1128, %get3A_1134 : vector<25x25x128xf32>
    %abs3A_1136 = math.absf %sub3A_1135 : vector<25x25x128xf32>
    %slice3A_1137 = vector.extract_strided_slice %get3A_1001 {offsets = [2, 0, 0, 0], sizes = [1, 25, 25, 128], strides = [1, 1, 1, 1]} : vector<5x25x25x128xf32> to vector<1x25x25x128xf32>
    %squeeze3A_1138 = vector.shape_cast %slice3A_1137 : vector<1x25x25x128xf32> to vector<25x25x128xf32>
    %mul3A_1139 = arith.mulf %abs3A_1136, %squeeze3A_1138 : vector<25x25x128xf32>
    %add3A_1140 = arith.addf %add3A_1122, %mul3A_1139 : vector<25x25x128xf32>
    %get3A_1141 = arith.constant 8 : index
    %get3A_1142 = arith.constant 0 : index
    %get3A_1143 = arith.constant 0 : index
    %get3A_1144 = arith.constant 0 : index
    %get3A_1145 = vector.load %arg4[%get3A_1141, %get3A_1142, %get3A_1143, %get3A_1144] : memref<20x25x25x128xf32, #tpu.memory_space<vmem>>, vector<1x25x25x128xf32>
    %get3A_1146 = vector.shape_cast %get3A_1145 : vector<1x25x25x128xf32> to vector<25x25x128xf32>
    %get3A_1147 = arith.constant 8 : index
    %get3A_1148 = arith.constant 0 : index
    %get3A_1149 = arith.constant 0 : index
    %get3A_1150 = arith.constant 0 : index
    %get3A_1151 = vector.load %arg5[%get3A_1147, %get3A_1148, %get3A_1149, %get3A_1150] : memref<20x25x25x128xf32, #tpu.memory_space<vmem>>, vector<1x25x25x128xf32>
    %get3A_1152 = vector.shape_cast %get3A_1151 : vector<1x25x25x128xf32> to vector<25x25x128xf32>
    %sub3A_1153 = arith.subf %get3A_1146, %get3A_1152 : vector<25x25x128xf32>
    %abs3A_1154 = math.absf %sub3A_1153 : vector<25x25x128xf32>
    %slice3A_1155 = vector.extract_strided_slice %get3A_1001 {offsets = [3, 0, 0, 0], sizes = [1, 25, 25, 128], strides = [1, 1, 1, 1]} : vector<5x25x25x128xf32> to vector<1x25x25x128xf32>
    %squeeze3A_1156 = vector.shape_cast %slice3A_1155 : vector<1x25x25x128xf32> to vector<25x25x128xf32>
    %mul3A_1157 = arith.mulf %abs3A_1154, %squeeze3A_1156 : vector<25x25x128xf32>
    %add3A_1158 = arith.addf %add3A_1140, %mul3A_1157 : vector<25x25x128xf32>
    %get3A_1159 = arith.constant 9 : index
    %get3A_1160 = arith.constant 0 : index
    %get3A_1161 = arith.constant 0 : index
    %get3A_1162 = arith.constant 0 : index
    %get3A_1163 = vector.load %arg4[%get3A_1159, %get3A_1160, %get3A_1161, %get3A_1162] : memref<20x25x25x128xf32, #tpu.memory_space<vmem>>, vector<1x25x25x128xf32>
    %get3A_1164 = vector.shape_cast %get3A_1163 : vector<1x25x25x128xf32> to vector<25x25x128xf32>
    %get3A_1165 = arith.constant 9 : index
    %get3A_1166 = arith.constant 0 : index
    %get3A_1167 = arith.constant 0 : index
    %get3A_1168 = arith.constant 0 : index
    %get3A_1169 = vector.load %arg5[%get3A_1165, %get3A_1166, %get3A_1167, %get3A_1168] : memref<20x25x25x128xf32, #tpu.memory_space<vmem>>, vector<1x25x25x128xf32>
    %get3A_1170 = vector.shape_cast %get3A_1169 : vector<1x25x25x128xf32> to vector<25x25x128xf32>
    %sub3A_1171 = arith.subf %get3A_1164, %get3A_1170 : vector<25x25x128xf32>
    %abs3A_1172 = math.absf %sub3A_1171 : vector<25x25x128xf32>
    %slice3A_1173 = vector.extract_strided_slice %get3A_1001 {offsets = [4, 0, 0, 0], sizes = [1, 25, 25, 128], strides = [1, 1, 1, 1]} : vector<5x25x25x128xf32> to vector<1x25x25x128xf32>
    %squeeze3A_1174 = vector.shape_cast %slice3A_1173 : vector<1x25x25x128xf32> to vector<25x25x128xf32>
    %mul3A_1175 = arith.mulf %abs3A_1172, %squeeze3A_1174 : vector<25x25x128xf32>
    %add3A_1176 = arith.addf %add3A_1158, %mul3A_1175 : vector<25x25x128xf32>
    %get3A_1177 = arith.constant 10 : index
    %get3A_1178 = arith.constant 0 : index
    %get3A_1179 = arith.constant 0 : index
    %get3A_1180 = arith.constant 0 : index
    %get3A_1181 = vector.load %arg4[%get3A_1177, %get3A_1178, %get3A_1179, %get3A_1180] : memref<20x25x25x128xf32, #tpu.memory_space<vmem>>, vector<1x25x25x128xf32>
    %get3A_1182 = vector.shape_cast %get3A_1181 : vector<1x25x25x128xf32> to vector<25x25x128xf32>
    %get3A_1183 = arith.constant 10 : index
    %get3A_1184 = arith.constant 0 : index
    %get3A_1185 = arith.constant 0 : index
    %get3A_1186 = arith.constant 0 : index
    %get3A_1187 = vector.load %arg5[%get3A_1183, %get3A_1184, %get3A_1185, %get3A_1186] : memref<20x25x25x128xf32, #tpu.memory_space<vmem>>, vector<1x25x25x128xf32>
    %get3A_1188 = vector.shape_cast %get3A_1187 : vector<1x25x25x128xf32> to vector<25x25x128xf32>
    %sub3A_1189 = arith.subf %get3A_1182, %get3A_1188 : vector<25x25x128xf32>
    %abs3A_1190 = math.absf %sub3A_1189 : vector<25x25x128xf32>
    %slice3A_1191 = vector.extract_strided_slice %get3A_1001 {offsets = [0, 0, 0, 0], sizes = [1, 25, 25, 128], strides = [1, 1, 1, 1]} : vector<5x25x25x128xf32> to vector<1x25x25x128xf32>
    %squeeze3A_1192 = vector.shape_cast %slice3A_1191 : vector<1x25x25x128xf32> to vector<25x25x128xf32>
    %mul3A_1193 = arith.mulf %abs3A_1190, %squeeze3A_1192 : vector<25x25x128xf32>
    %add3A_1194 = arith.addf %add3A_1176, %mul3A_1193 : vector<25x25x128xf32>
    %get3A_1195 = arith.constant 11 : index
    %get3A_1196 = arith.constant 0 : index
    %get3A_1197 = arith.constant 0 : index
    %get3A_1198 = arith.constant 0 : index
    %get3A_1199 = vector.load %arg4[%get3A_1195, %get3A_1196, %get3A_1197, %get3A_1198] : memref<20x25x25x128xf32, #tpu.memory_space<vmem>>, vector<1x25x25x128xf32>
    %get3A_1200 = vector.shape_cast %get3A_1199 : vector<1x25x25x128xf32> to vector<25x25x128xf32>
    %get3A_1201 = arith.constant 11 : index
    %get3A_1202 = arith.constant 0 : index
    %get3A_1203 = arith.constant 0 : index
    %get3A_1204 = arith.constant 0 : index
    %get3A_1205 = vector.load %arg5[%get3A_1201, %get3A_1202, %get3A_1203, %get3A_1204] : memref<20x25x25x128xf32, #tpu.memory_space<vmem>>, vector<1x25x25x128xf32>
    %get3A_1206 = vector.shape_cast %get3A_1205 : vector<1x25x25x128xf32> to vector<25x25x128xf32>
    %sub3A_1207 = arith.subf %get3A_1200, %get3A_1206 : vector<25x25x128xf32>
    %abs3A_1208 = math.absf %sub3A_1207 : vector<25x25x128xf32>
    %slice3A_1209 = vector.extract_strided_slice %get3A_1001 {offsets = [1, 0, 0, 0], sizes = [1, 25, 25, 128], strides = [1, 1, 1, 1]} : vector<5x25x25x128xf32> to vector<1x25x25x128xf32>
    %squeeze3A_1210 = vector.shape_cast %slice3A_1209 : vector<1x25x25x128xf32> to vector<25x25x128xf32>
    %mul3A_1211 = arith.mulf %abs3A_1208, %squeeze3A_1210 : vector<25x25x128xf32>
    %add3A_1212 = arith.addf %add3A_1194, %mul3A_1211 : vector<25x25x128xf32>
    %get3A_1213 = arith.constant 12 : index
    %get3A_1214 = arith.constant 0 : index
    %get3A_1215 = arith.constant 0 : index
    %get3A_1216 = arith.constant 0 : index
    %get3A_1217 = vector.load %arg4[%get3A_1213, %get3A_1214, %get3A_1215, %get3A_1216] : memref<20x25x25x128xf32, #tpu.memory_space<vmem>>, vector<1x25x25x128xf32>
    %get3A_1218 = vector.shape_cast %get3A_1217 : vector<1x25x25x128xf32> to vector<25x25x128xf32>
    %get3A_1219 = arith.constant 12 : index
    %get3A_1220 = arith.constant 0 : index
    %get3A_1221 = arith.constant 0 : index
    %get3A_1222 = arith.constant 0 : index
    %get3A_1223 = vector.load %arg5[%get3A_1219, %get3A_1220, %get3A_1221, %get3A_1222] : memref<20x25x25x128xf32, #tpu.memory_space<vmem>>, vector<1x25x25x128xf32>
    %get3A_1224 = vector.shape_cast %get3A_1223 : vector<1x25x25x128xf32> to vector<25x25x128xf32>
    %sub3A_1225 = arith.subf %get3A_1218, %get3A_1224 : vector<25x25x128xf32>
    %abs3A_1226 = math.absf %sub3A_1225 : vector<25x25x128xf32>
    %slice3A_1227 = vector.extract_strided_slice %get3A_1001 {offsets = [2, 0, 0, 0], sizes = [1, 25, 25, 128], strides = [1, 1, 1, 1]} : vector<5x25x25x128xf32> to vector<1x25x25x128xf32>
    %squeeze3A_1228 = vector.shape_cast %slice3A_1227 : vector<1x25x25x128xf32> to vector<25x25x128xf32>
    %mul3A_1229 = arith.mulf %abs3A_1226, %squeeze3A_1228 : vector<25x25x128xf32>
    %add3A_1230 = arith.addf %add3A_1212, %mul3A_1229 : vector<25x25x128xf32>
    %get3A_1231 = arith.constant 13 : index
    %get3A_1232 = arith.constant 0 : index
    %get3A_1233 = arith.constant 0 : index
    %get3A_1234 = arith.constant 0 : index
    %get3A_1235 = vector.load %arg4[%get3A_1231, %get3A_1232, %get3A_1233, %get3A_1234] : memref<20x25x25x128xf32, #tpu.memory_space<vmem>>, vector<1x25x25x128xf32>
    %get3A_1236 = vector.shape_cast %get3A_1235 : vector<1x25x25x128xf32> to vector<25x25x128xf32>
    %get3A_1237 = arith.constant 13 : index
    %get3A_1238 = arith.constant 0 : index
    %get3A_1239 = arith.constant 0 : index
    %get3A_1240 = arith.constant 0 : index
    %get3A_1241 = vector.load %arg5[%get3A_1237, %get3A_1238, %get3A_1239, %get3A_1240] : memref<20x25x25x128xf32, #tpu.memory_space<vmem>>, vector<1x25x25x128xf32>
    %get3A_1242 = vector.shape_cast %get3A_1241 : vector<1x25x25x128xf32> to vector<25x25x128xf32>
    %sub3A_1243 = arith.subf %get3A_1236, %get3A_1242 : vector<25x25x128xf32>
    %abs3A_1244 = math.absf %sub3A_1243 : vector<25x25x128xf32>
    %slice3A_1245 = vector.extract_strided_slice %get3A_1001 {offsets = [3, 0, 0, 0], sizes = [1, 25, 25, 128], strides = [1, 1, 1, 1]} : vector<5x25x25x128xf32> to vector<1x25x25x128xf32>
    %squeeze3A_1246 = vector.shape_cast %slice3A_1245 : vector<1x25x25x128xf32> to vector<25x25x128xf32>
    %mul3A_1247 = arith.mulf %abs3A_1244, %squeeze3A_1246 : vector<25x25x128xf32>
    %add3A_1248 = arith.addf %add3A_1230, %mul3A_1247 : vector<25x25x128xf32>
    %get3A_1249 = arith.constant 14 : index
    %get3A_1250 = arith.constant 0 : index
    %get3A_1251 = arith.constant 0 : index
    %get3A_1252 = arith.constant 0 : index
    %get3A_1253 = vector.load %arg4[%get3A_1249, %get3A_1250, %get3A_1251, %get3A_1252] : memref<20x25x25x128xf32, #tpu.memory_space<vmem>>, vector<1x25x25x128xf32>
    %get3A_1254 = vector.shape_cast %get3A_1253 : vector<1x25x25x128xf32> to vector<25x25x128xf32>
    %get3A_1255 = arith.constant 14 : index
    %get3A_1256 = arith.constant 0 : index
    %get3A_1257 = arith.constant 0 : index
    %get3A_1258 = arith.constant 0 : index
    %get3A_1259 = vector.load %arg5[%get3A_1255, %get3A_1256, %get3A_1257, %get3A_1258] : memref<20x25x25x128xf32, #tpu.memory_space<vmem>>, vector<1x25x25x128xf32>
    %get3A_1260 = vector.shape_cast %get3A_1259 : vector<1x25x25x128xf32> to vector<25x25x128xf32>
    %sub3A_1261 = arith.subf %get3A_1254, %get3A_1260 : vector<25x25x128xf32>
    %abs3A_1262 = math.absf %sub3A_1261 : vector<25x25x128xf32>
    %slice3A_1263 = vector.extract_strided_slice %get3A_1001 {offsets = [4, 0, 0, 0], sizes = [1, 25, 25, 128], strides = [1, 1, 1, 1]} : vector<5x25x25x128xf32> to vector<1x25x25x128xf32>
    %squeeze3A_1264 = vector.shape_cast %slice3A_1263 : vector<1x25x25x128xf32> to vector<25x25x128xf32>
    %mul3A_1265 = arith.mulf %abs3A_1262, %squeeze3A_1264 : vector<25x25x128xf32>
    %add3A_1266 = arith.addf %add3A_1248, %mul3A_1265 : vector<25x25x128xf32>
    %get3A_1267 = arith.constant 15 : index
    %get3A_1268 = arith.constant 0 : index
    %get3A_1269 = arith.constant 0 : index
    %get3A_1270 = arith.constant 0 : index
    %get3A_1271 = vector.load %arg4[%get3A_1267, %get3A_1268, %get3A_1269, %get3A_1270] : memref<20x25x25x128xf32, #tpu.memory_space<vmem>>, vector<1x25x25x128xf32>
    %get3A_1272 = vector.shape_cast %get3A_1271 : vector<1x25x25x128xf32> to vector<25x25x128xf32>
    %get3A_1273 = arith.constant 15 : index
    %get3A_1274 = arith.constant 0 : index
    %get3A_1275 = arith.constant 0 : index
    %get3A_1276 = arith.constant 0 : index
    %get3A_1277 = vector.load %arg5[%get3A_1273, %get3A_1274, %get3A_1275, %get3A_1276] : memref<20x25x25x128xf32, #tpu.memory_space<vmem>>, vector<1x25x25x128xf32>
    %get3A_1278 = vector.shape_cast %get3A_1277 : vector<1x25x25x128xf32> to vector<25x25x128xf32>
    %sub3A_1279 = arith.subf %get3A_1272, %get3A_1278 : vector<25x25x128xf32>
    %abs3A_1280 = math.absf %sub3A_1279 : vector<25x25x128xf32>
    %slice3A_1281 = vector.extract_strided_slice %get3A_1001 {offsets = [0, 0, 0, 0], sizes = [1, 25, 25, 128], strides = [1, 1, 1, 1]} : vector<5x25x25x128xf32> to vector<1x25x25x128xf32>
    %squeeze3A_1282 = vector.shape_cast %slice3A_1281 : vector<1x25x25x128xf32> to vector<25x25x128xf32>
    %mul3A_1283 = arith.mulf %abs3A_1280, %squeeze3A_1282 : vector<25x25x128xf32>
    %add3A_1284 = arith.addf %add3A_1266, %mul3A_1283 : vector<25x25x128xf32>
    %get3A_1285 = arith.constant 16 : index
    %get3A_1286 = arith.constant 0 : index
    %get3A_1287 = arith.constant 0 : index
    %get3A_1288 = arith.constant 0 : index
    %get3A_1289 = vector.load %arg4[%get3A_1285, %get3A_1286, %get3A_1287, %get3A_1288] : memref<20x25x25x128xf32, #tpu.memory_space<vmem>>, vector<1x25x25x128xf32>
    %get3A_1290 = vector.shape_cast %get3A_1289 : vector<1x25x25x128xf32> to vector<25x25x128xf32>
    %get3A_1291 = arith.constant 16 : index
    %get3A_1292 = arith.constant 0 : index
    %get3A_1293 = arith.constant 0 : index
    %get3A_1294 = arith.constant 0 : index
    %get3A_1295 = vector.load %arg5[%get3A_1291, %get3A_1292, %get3A_1293, %get3A_1294] : memref<20x25x25x128xf32, #tpu.memory_space<vmem>>, vector<1x25x25x128xf32>
    %get3A_1296 = vector.shape_cast %get3A_1295 : vector<1x25x25x128xf32> to vector<25x25x128xf32>
    %sub3A_1297 = arith.subf %get3A_1290, %get3A_1296 : vector<25x25x128xf32>
    %abs3A_1298 = math.absf %sub3A_1297 : vector<25x25x128xf32>
    %slice3A_1299 = vector.extract_strided_slice %get3A_1001 {offsets = [1, 0, 0, 0], sizes = [1, 25, 25, 128], strides = [1, 1, 1, 1]} : vector<5x25x25x128xf32> to vector<1x25x25x128xf32>
    %squeeze3A_1300 = vector.shape_cast %slice3A_1299 : vector<1x25x25x128xf32> to vector<25x25x128xf32>
    %mul3A_1301 = arith.mulf %abs3A_1298, %squeeze3A_1300 : vector<25x25x128xf32>
    %add3A_1302 = arith.addf %add3A_1284, %mul3A_1301 : vector<25x25x128xf32>
    %get3A_1303 = arith.constant 17 : index
    %get3A_1304 = arith.constant 0 : index
    %get3A_1305 = arith.constant 0 : index
    %get3A_1306 = arith.constant 0 : index
    %get3A_1307 = vector.load %arg4[%get3A_1303, %get3A_1304, %get3A_1305, %get3A_1306] : memref<20x25x25x128xf32, #tpu.memory_space<vmem>>, vector<1x25x25x128xf32>
    %get3A_1308 = vector.shape_cast %get3A_1307 : vector<1x25x25x128xf32> to vector<25x25x128xf32>
    %get3A_1309 = arith.constant 17 : index
    %get3A_1310 = arith.constant 0 : index
    %get3A_1311 = arith.constant 0 : index
    %get3A_1312 = arith.constant 0 : index
    %get3A_1313 = vector.load %arg5[%get3A_1309, %get3A_1310, %get3A_1311, %get3A_1312] : memref<20x25x25x128xf32, #tpu.memory_space<vmem>>, vector<1x25x25x128xf32>
    %get3A_1314 = vector.shape_cast %get3A_1313 : vector<1x25x25x128xf32> to vector<25x25x128xf32>
    %sub3A_1315 = arith.subf %get3A_1308, %get3A_1314 : vector<25x25x128xf32>
    %abs3A_1316 = math.absf %sub3A_1315 : vector<25x25x128xf32>
    %slice3A_1317 = vector.extract_strided_slice %get3A_1001 {offsets = [2, 0, 0, 0], sizes = [1, 25, 25, 128], strides = [1, 1, 1, 1]} : vector<5x25x25x128xf32> to vector<1x25x25x128xf32>
    %squeeze3A_1318 = vector.shape_cast %slice3A_1317 : vector<1x25x25x128xf32> to vector<25x25x128xf32>
    %mul3A_1319 = arith.mulf %abs3A_1316, %squeeze3A_1318 : vector<25x25x128xf32>
    %add3A_1320 = arith.addf %add3A_1302, %mul3A_1319 : vector<25x25x128xf32>
    %get3A_1321 = arith.constant 18 : index
    %get3A_1322 = arith.constant 0 : index
    %get3A_1323 = arith.constant 0 : index
    %get3A_1324 = arith.constant 0 : index
    %get3A_1325 = vector.load %arg4[%get3A_1321, %get3A_1322, %get3A_1323, %get3A_1324] : memref<20x25x25x128xf32, #tpu.memory_space<vmem>>, vector<1x25x25x128xf32>
    %get3A_1326 = vector.shape_cast %get3A_1325 : vector<1x25x25x128xf32> to vector<25x25x128xf32>
    %get3A_1327 = arith.constant 18 : index
    %get3A_1328 = arith.constant 0 : index
    %get3A_1329 = arith.constant 0 : index
    %get3A_1330 = arith.constant 0 : index
    %get3A_1331 = vector.load %arg5[%get3A_1327, %get3A_1328, %get3A_1329, %get3A_1330] : memref<20x25x25x128xf32, #tpu.memory_space<vmem>>, vector<1x25x25x128xf32>
    %get3A_1332 = vector.shape_cast %get3A_1331 : vector<1x25x25x128xf32> to vector<25x25x128xf32>
    %sub3A_1333 = arith.subf %get3A_1326, %get3A_1332 : vector<25x25x128xf32>
    %abs3A_1334 = math.absf %sub3A_1333 : vector<25x25x128xf32>
    %slice3A_1335 = vector.extract_strided_slice %get3A_1001 {offsets = [3, 0, 0, 0], sizes = [1, 25, 25, 128], strides = [1, 1, 1, 1]} : vector<5x25x25x128xf32> to vector<1x25x25x128xf32>
    %squeeze3A_1336 = vector.shape_cast %slice3A_1335 : vector<1x25x25x128xf32> to vector<25x25x128xf32>
    %mul3A_1337 = arith.mulf %abs3A_1334, %squeeze3A_1336 : vector<25x25x128xf32>
    %add3A_1338 = arith.addf %add3A_1320, %mul3A_1337 : vector<25x25x128xf32>
    %get3A_1339 = arith.constant 19 : index
    %get3A_1340 = arith.constant 0 : index
    %get3A_1341 = arith.constant 0 : index
    %get3A_1342 = arith.constant 0 : index
    %get3A_1343 = vector.load %arg4[%get3A_1339, %get3A_1340, %get3A_1341, %get3A_1342] : memref<20x25x25x128xf32, #tpu.memory_space<vmem>>, vector<1x25x25x128xf32>
    %get3A_1344 = vector.shape_cast %get3A_1343 : vector<1x25x25x128xf32> to vector<25x25x128xf32>
    %get3A_1345 = arith.constant 19 : index
    %get3A_1346 = arith.constant 0 : index
    %get3A_1347 = arith.constant 0 : index
    %get3A_1348 = arith.constant 0 : index
    %get3A_1349 = vector.load %arg5[%get3A_1345, %get3A_1346, %get3A_1347, %get3A_1348] : memref<20x25x25x128xf32, #tpu.memory_space<vmem>>, vector<1x25x25x128xf32>
    %get3A_1350 = vector.shape_cast %get3A_1349 : vector<1x25x25x128xf32> to vector<25x25x128xf32>
    %sub3A_1351 = arith.subf %get3A_1344, %get3A_1350 : vector<25x25x128xf32>
    %abs3A_1352 = math.absf %sub3A_1351 : vector<25x25x128xf32>
    %slice3A_1353 = vector.extract_strided_slice %get3A_1001 {offsets = [4, 0, 0, 0], sizes = [1, 25, 25, 128], strides = [1, 1, 1, 1]} : vector<5x25x25x128xf32> to vector<1x25x25x128xf32>
    %squeeze3A_1354 = vector.shape_cast %slice3A_1353 : vector<1x25x25x128xf32> to vector<25x25x128xf32>
    %mul3A_1355 = arith.mulf %abs3A_1352, %squeeze3A_1354 : vector<25x25x128xf32>
    %add3A_1356 = arith.addf %add3A_1338, %mul3A_1355 : vector<25x25x128xf32>
    %reduce_sum3A = vector.shape_cast %add3A_1356 : vector<25x25x128xf32> to vector<1x25x25x128xf32>
    %reduce_sum3A_1357 = arith.constant dense<0.000000e+00> : vector<1xf32>
    %reduce_sum3A_1358 = vector.multi_reduction <add>, %reduce_sum3A, %reduce_sum3A_1357 [1, 2, 3] : vector<1x25x25x128xf32> to vector<1xf32>
    %reduce_sum3A_1359 = vector.shape_cast %reduce_sum3A_1358 : vector<1xf32> to vector<1x1x1x1xf32>
    %reduce_sum3A_1360 = vector.extract %reduce_sum3A_1359[0, 0, 0, 0] : f32 from vector<1x1x1x1xf32>
    %swap3A = arith.constant 0 : index
    %swap3A_1361 = arith.constant 0 : index
    %swap3A_1362 = memref.load %arg3[%swap3A, %swap3A_1361] : memref<1x1xf32, #tpu.memory_space<smem>>
    memref.store %reduce_sum3A_1360, %arg3[%swap3A, %swap3A_1361] : memref<1x1xf32, #tpu.memory_space<smem>>
    return
  }
}

</mosaic_0001>

<sc_bundles>
// kernel: kernel.4.cloned.1.call-start
scs
__scs_entry_jumppad:
0x0: {  	(pc) =	sbr.rel $0x88, $3  }
0x1: {  	(tag) =	ssettag $0x0;
	lr =	simm.s32 $0x1  }
0x2: {  	[smem:$0x3F9C] =	sst lr;
	_ =	strace $0xD0000000  }
0x3: {  	_ = 	snop  }
0x4: {  	_ = 	snop  }
0x5: {  	_ = 	snop  }
0x6: {  	_ = 	snop  }
0x7: {  	_ = 	snop  }
__scs_overlays_trampoline_lowered:
0x8: {  	[smem:$0x3FAB] =	sst s0  }
0x9: {  	[smem:$0x3FAC] =	sst s1  }
0xa: {  	[smem:$0x3FAD] =	sst s2  }
0xb: {  	[smem:$0x3FAE] =	sst s3  }
0xc: {  	[smem:$0x3FAF] =	sst s4  }
0xd: {  	[smem:$0x3FB0] =	sst s5  }
0xe: {  	[smem:$0x3FB1] =	sst s6  }
0xf: {  	[smem:$0x3FB2] =	sst s7  }
0x10: {  	[smem:$0x3FB3] =	sst s8  }
0x11: {  	[smem:$0x3FB4] =	sst s9;
	s0 =	simm.s32 @!p0 $0x0  }
0x12: {  	s1 =	sld [smem:$0x3F9A];
	s0 =	simm.s32 @p0 $0x1  }
0x13: {  	[smem:$0x3FB5] =	sst s0;
	s0 =	simm.s32 @!p1 $0x0  }
0x14: {  	s2 =	sld [smem:$0x3F99];
	s0 =	simm.s32 @p1 $0x1  }
0x15: {  	[smem:$0x3FB6] =	sst s0;
	s0 =	simm.s32 @!p2 $0x0  }
0x16: {  	s3 =	sld [smem:$0x3FDB];
	s0 =	simm.s32 @p2 $0x1  }
0x17: {  	s4 =	simm.s32 $0x1BF5;
	[smem:$0x3FB8] =	sst s0  }
0x18: {  	s0 =	sld [smem:$0x3F9B];
	_ =	swait.ge [sflag:s4], $0x0  }
0x19: {  	s7 =	sld [smem:$0x3F9C]  }
0x1a: {  	s8 =	sadd.s32 $0xFFFFE003, lr  }
0x1b: {  	s9 =	sadd.s32 $0xFFFFFEF7, lr;
	s5 =	simm.s32 $0xFFFFFFFF;
	p2 =	slt.u32 s8, $0xFFFFF086  }
0x1c: {  	p1 =	slt.u32 s9, $0xF7A;
	s5 =	simm.s32 @!p2 $0x0  }
0x1d: {  	s5 =	simm.s32 @p1 $0x1;
	p0 =	seq.s32 s7, s2  }
0x1e: {  	s7 =	smul.u32 @!p0 $0xF7A, s2;
	p2 =	seq.s32 @!p0 s5, $0x0  }
0x1f: {  	s9 =	smul.u32 $0xF7A, s1;
	s8 =	simm.s32 @!p0 $0x1BF5;
	p2 =	por !p2, p0  }
0x20: {  	[sflag:s8] =	ssyncset.s32 @!p0 $0xFFFFF086;
	s6 =	sadd.s32 @!p0 s3, s7;
	s7 =	simm.s32 @!p0 $0x108  }
0x21: {  	s3 =	sadd.s32 s3, s9;
	s6 =	sadd.s32 @!p0 $0x88, s6;
	s7 =	simm.s32 @p2 $0x1082  }
0x22: {  	[simem:s7], [sflag:s8] =	dma.local @!p0 [hbm:s6], $0xF7A  }
0x23: {  	s9 =	sor.u32 $0xD0000000, s2;
	s6 =	simm.s32 $0x108;
	_ =	swait.ge @!p0 [sflag:s8], $0x0  }
0x24: {  	s3 =	sadd.s32 $0x88, s3;
	s6 =	simm.s32 @!p1 $0x1082;
	[sflag:s4] =	ssyncset.s32 $0xFFFFF086  }
0x25: {  	[simem:s6], [sflag:s4] =	dma.local [hbm:s3], $0xF7A  }
0x26: {  	[smem:$0x3F9C] =	sst s1;
	(tag) =	ssettag s2;
	_ =	strace s9  }
0x27: {  	s1 =	sld [smem:$0x3FAC]  }
0x28: {  	s2 =	sld [smem:$0x3FAD]  }
0x29: {  	s4 =	sld [smem:$0x3FAF]  }
0x2a: {  	p0 =	seq.s32 s5, $0x0;
	s5 =	sld [smem:$0x3FB0]  }
0x2b: {  	s6 =	sld [smem:$0x3FB1]  }
0x2c: {  	s7 =	sld [smem:$0x3FB2]  }
0x2d: {  	s3 =	simm.s32 $0x108;
	s8 =	sld [smem:$0x3FB3]  }
0x2e: {  	s3 =	simm.s32 @!p0 $0x1082;
	s9 =	sld [smem:$0x3FB4]  }
0x2f: {  	lr =	sadd.s32 s0, s3;
	s0 =	sld [smem:$0x3FAB]  }
0x30: {  	s3 =	sld [smem:$0x3FAE]  }
0x31: {  	[smem:$0x3FB7] =	sst s10  }
0x32: {  	s10 =	sld [smem:$0x3FB5];
	_ =	sdelay $0x3  }
0x33: {  	p0 =	seq.s32 s10, $0x1;
	s10 =	sld [smem:$0x3FB7];
	_ =	sdelay $0x3  }
0x34: {  	[smem:$0x3FB7] =	sst s10  }
0x35: {  	s10 =	sld [smem:$0x3FB6];
	_ =	sdelay $0x3  }
0x36: {  	p1 =	seq.s32 s10, $0x1;
	s10 =	sld [smem:$0x3FB7];
	_ =	sdelay $0x3  }
0x37: {  	[smem:$0x3FB7] =	sst s10  }
0x38: {  	s10 =	sld [smem:$0x3FB8]  }
0x39: {  	_ = 	snop;
	(pc) =	sbr.ind lr, $3  }
0x3a: {  	_ = 	snop  }
0x3b: {  	_ = 	snop  }
0x3c: {  	p2 =	seq.s32 s10, $0x1;
	s10 =	sld [smem:$0x3FB7]  }
0x3d: {  	_ =	shalt  }
0x3e: {  	_ =	shalt  }
0x3f: {  	_ =	shalt  }
0x40: {  	_ =	shalt  }
0x41: {  	_ =	shalt  }
0x42: {  	_ =	shalt  }
0x43: {  	_ =	shalt  }
0x44: {  	_ =	shalt  }
0x45: {  	_ =	shalt  }
0x46: {  	_ =	shalt  }
0x47: {  	_ =	shalt  }
0x48: {  	_ =	shalt  }
0x49: {  	_ =	shalt  }
0x4a: {  	_ =	shalt  }
0x4b: {  	_ =	shalt  }
0x4c: {  	_ =	shalt  }
0x4d: {  	_ =	shalt  }
0x4e: {  	_ =	shalt  }
0x4f: {  	_ =	shalt  }
0x50: {  	_ =	shalt  }
0x51: {  	_ =	shalt  }
0x52: {  	_ =	shalt  }
0x53: {  	_ =	shalt  }
0x54: {  	_ =	shalt  }
0x55: {  	_ =	shalt  }
0x56: {  	_ =	shalt  }
0x57: {  	_ =	shalt  }
0x58: {  	_ =	shalt  }
0x59: {  	_ =	shalt  }
0x5a: {  	_ =	shalt  }
0x5b: {  	_ =	shalt  }
0x5c: {  	_ =	shalt  }
0x5d: {  	_ =	shalt  }
0x5e: {  	_ =	shalt  }
0x5f: {  	_ =	shalt  }
0x60: {  	_ =	shalt  }
0x61: {  	_ =	shalt  }
0x62: {  	_ =	shalt  }
0x63: {  	_ =	shalt  }
0x64: {  	_ =	shalt  }
0x65: {  	_ =	shalt  }
0x66: {  	_ =	shalt  }
0x67: {  	_ =	shalt  }
0x68: {  	_ =	shalt  }
0x69: {  	_ =	shalt  }
0x6a: {  	_ =	shalt  }
0x6b: {  	_ =	shalt  }
0x6c: {  	_ =	shalt  }
0x6d: {  	_ =	shalt  }
0x6e: {  	_ =	shalt  }
0x6f: {  	_ =	shalt  }
0x70: {  	_ =	shalt  }
0x71: {  	_ =	shalt  }
0x72: {  	_ =	shalt  }
0x73: {  	_ =	shalt  }
0x74: {  	_ =	shalt  }
0x75: {  	_ =	shalt  }
0x76: {  	_ =	shalt  }
0x77: {  	_ =	shalt  }
0x78: {  	_ =	shalt  }
0x79: {  	_ =	shalt  }
0x7a: {  	_ =	shalt  }
0x7b: {  	_ =	shalt  }
0x7c: {  	_ =	shalt  }
0x7d: {  	_ =	shalt  }
0x7e: {  	_ =	shalt  }
0x7f: {  	_ =	shalt  }
0x80: {  	_ =	shalt  }
0x81: {  	_ =	shalt  }
0x82: {  	_ =	shalt  }
0x83: {  	_ =	shalt  }
0x84: {  	_ =	shalt  }
0x85: {  	_ =	shalt  }
0x86: {  	_ =	shalt  }
0x87: {  	_ =	shalt  }
.Lfunc_end0:
.L_simem_size_0:
called_computation_lowered:
.L_overlay_start_0:
0x88: {  	s2 =	sld [smem:$0x3FD9]  }
0x89: {  	s3 =	sld [smem:$0x3FFE];
	_ =	sdelay $0x1  }
0x8a: {  	s1 =	srdreg.scid  }
0x8b: {  	s0 =	sand.u32 $0x1, s1  }
0x8c: {  	s16 =	sshll.u32 s0, $0xA;
	s2 =	sadd.s32 s3, s2  }
0x8d: {  	s2 =	sadd.s32 s2, s16  }
0x8e: {  	[smem:$0x3FC3] =	sst s2  }
0x8f: {  	_ = 	snop  }
0x90: {  	(tm) =	ssettm $0x1  }
0x91: {  	s17 =	sld [smem:$0x3FFB];
	_ =	sdelay $0x3  }
0x92: {  	_ =	strace s17  }
0x93: {  	s2 =	sld [smem:$0x3FFC];
	_ =	sdelay $0x3  }
0x94: {  	_ =	strace s2  }
0x95: {  	s2 =	sld [smem:$0x3FFD];
	_ =	sdelay $0x3  }
0x96: {  	_ =	strace s2  }
0x97: {  	_ =	strace $0x8FFFFFFF  }
0x98: {  	s18 =	sld [smem:$0x3FDB];
	_ =	sdelay $0x1  }
0x99: {  	s19 =	simm.s32 $_scs_section_size  }
0x9a: {  	s4 =	simm.s32 $_size__tile_overlayer_lowered;
	s5 =	simm.s32 $_tile_overlayer_lowered  }
0x9b: {  	s22 =	simm.s32 $0x1BFF;
	s21 =	sshll.u32 s5, $0x1;
	s2 =	sadd.s32 s19, s18  }
0x9c: {  	s6 =	simm.s32 $0x0;
	s20 =	sshll.u32 s4, $0x1;
	s4 =	sadd.s32 s21, s2  }
0x9d: {  	[timem:s6], [sflag:s22] =	dma.local [hbm:s4], s20  }
0x9e: {  	_ =	swait.ge [sflag:s22], s20  }
0x9f: {  	s3 =	ssub.s32 $0x0, s20;
	[sflag:s22] =	ssyncset.done $0x0  }
0xa0: {  	[sflag:s22] =	ssyncadd.s32 s3;
	_ =	sdelay $0x1  }
0xa1: {  	s23 =	simm.s32 $0x1B8B  }
0xa2: {  	_ =	swait.ge [sflag:s23], $0x1  }
0xa3: {  	[sflag:s23] =	ssyncset.done $0x0  }
0xa4: {  	s25 =	simm.s32 $0x1B8E;
	s24 =	sld [smem:$0x3FFE];
	[sflag:s23] =	ssyncadd.s32 $0xFFFFFFFF  }
0xa5: {  	s26 =	simm.s32 $execute0_lowered;
	[smem:$0x3FD2] =	sst s25  }
0xa6: {  	s4 =	sshll.u32 s26, $0x1;
	_ =	strace $0x80000046;
	[dreg:$0x1] =	wrdreg $0xFFFFFFFF  }
0xa7: {  	s28 =	simm.s32 $_size_execute0_lowered;
	s2 =	sadd.s32 s2, s4;
	[dreg:$0x0] =	wrdreg $0x0  }
0xa8: {  	s4 =	sshll.u32 s28, $0x1;
	[dreg:$0x2] =	wrdreg s2  }
0xa9: {  	[dreg:$0x3] =	wrdreg s4  }
0xaa: {  	[dreg:$0x4] =	wrdreg $0xC0  }
0xab: {  	_ =	task [dreg:s6], $0x5FFFF  }
0xac: {  	[dreg:$0x1] =	wrdreg $0xFFFFFFFF  }
0xad: {  	[dreg:$0x0] =	wrdreg $0x60  }
0xae: {  	[dreg:$0x2] =	wrdreg s24  }
0xaf: {  	[dreg:$0x3] =	wrdreg $0x9  }
0xb0: {  	_ =	task.clear_ibuf [dreg:s6], $0x4FFFF;
	_ =	strace $0x90000046  }
0xb1: {  	s29 =	simm.s32 $0x9;
	_ =	strace $0x80000048  }
0xb2: {  	_ =	swait.ge [sflag:s29], $0x1  }
0xb3: {  	[sflag:s29] =	ssyncadd.s32 $0xFFFFFFFF  }
0xb4: {  	_ =	strace $0x90000048  }
0xb5: {  	_ =	sfence  }
0xb6: {  	s30 =	sld [smem:$0x0];
	_ =	sdelay $0x2  }
0xb7: {  	s31 =	sshll.u32 s1, $0xD;
	s1 =	sshrl.u32 s1, $0x2  }
0xb8: {  	s3 =	sand.u32 $0x4000, s31;
	s1 =	sadd.s32 s1, s30  }
0xb9: {  	s0 =	sor.u32 s3, s0;
	s1 =	sshll.u32 s1, $0x11  }
0xba: {  	s0 =	sor.u32 s1, s0  }
0xbb: {  	s0 =	sadd.s32 $0x8F2B, s0  }
0xbc: {  	[sflag:s0] =	ssyncadd.remote.s32 $0x1  }
0xbd: {  	_ =	sfence.sel $0xFFFF  }
0xbe: {  	[dreg:$0x0] =	wrdreg $0xFFFFFFFF;
	(pc) =	sbr.abs _section_cstart, $3  }
0xbf: {  	[dreg:$0x1] =	wrdreg $0xFFFFFFFF  }
0xc0: {  	_ =	task.clear_ibuf [dreg:s6], $0x2FFFF;
	_ =	strace $0x9FFFFFFF  }
0xc1: {  	(tm) =	ssettm $0x7FFFFFFF  }
tec
execute0_lowered:
.L_overlay_start_1:
0x0: {  	(tag) =	ssettag $0x1  }
0x1: {  	s1 =	srdreg.scid;
	s0 =	stileid.u32  }
0x2: {  	s5 =	rddreg [dreg:$0x0];
	s3 =	sand.u32 $0x1, s1;
	s30 =	sshll.u32 s0, $0x1  }
0x3: {  	s2 =	simm.s32 $0x0;
	s9 =	simm.s32 $0x180;
	s4 =	sor.u32 s3, s30  }
0x4: {  	s10 =	simm.s32 $0x0;
	[smem:$0x7FF] =	sst s2;
	s6 =	smul.u32 $0x30E0, s4  }
0x5: {  	s1 =	rddreg [dreg:$0x1];
	_ =	strace $0x80000047;
	s3 =	ssub.s32 $0x2, s3  }
0x6: {  	s8 =	smul.u32 $0x6, s4;
	p0 =	seq.s32 s4, $0x1F;
	s6 =	smin.u32 s6, $0x5E9A0  }
0x7: {  	s31 =	sshrl.u32 s3, $0x1;
	s9 =	simm.s32 @!p0 $0x0;
	s7 =	sshrl.u32 s6, $0x3  }
0x8: {  	v0 =	vmov s9;
	s9 =	simm.s32 $0x9300;
	s6 =	sshrl.u32 s6, $0x2;
	s7 =	sadd.s32 s7, s5  }
0x9: {  	s6 =	sadd.s32 s6, s5;
	s5 =	sadd.s32 s8, s5;
	s8 =	ssub.s32 s3, s31  }
0xa: {  	s3 =	sadd.s32 $0x19E00, s7;
	s4 =	sadd.s32 $0x1600, s6;
	s5 =	sadd.s32 $0x26200, s5  }
0xb: {  	v1 =	vlaneseq.u32;
	v2 =	vimm.f32 $0.0e+00;
	s6 =	smax.u32 s8, $0x1;
	s7 =	simm.s32 $0x1;
	s8 =	simm.s32 $0x3100  }
.LBB2_1:
0xc: {  	[tilespmem:s2], [sflag:$0x1] =	stream.linear.gather [hbm4b:s3+s2], $0x30E0, $0x38;
	[tilespmem:$0x9380] =	vst v63  }
0xd: {  	_ =	swait.ge [sflag:s7], $0x30E0  }
0xe: {  	[sflag:s7] =	ssyncset.done $0x0  }
0xf: {  	[sflag:s7] =	ssyncadd.s32 $0xFFFFCF20  }
0x10: {  	[tilespmem:s8], [sflag:$0x1] =	stream.linear.gather [hbm4b:s4+s2], $0x61C0, $0x38;
	[tilespmem:$0x9380] =	vst v63  }
0x11: {  	_ =	swait.ge [sflag:s7], $0x61C0  }
0x12: {  	[sflag:s7] =	ssyncset.done $0x0  }
0x13: {  	[sflag:s7] =	ssyncadd.s32 $0xFFFF9E40  }
0x14: {  	v7 =	vld [tilespmem:s2+$0x0];
	_ =	sdelay $0x2  }
0x15: {  	s11 =	simm.s32 $0x10;
	v9 =	vor.u32 s2, v1  }
0x16: {  	v4 =	vshll.u32 v9, $0x1;
	v3 =	vld [tilespmem:s11+$0x0]  }
0x17: {  	v5 =	vadd.s32 v4, v7  }
0x18: {  	vm0 =	vlt.s32 v5, $0x61BF  }
0x19: {  	v4 =	vor.u32 s11, v1;
	v10 =	vnsel vm0, $0x61BF, v5  }
0x1a: {  	v6 =	vshll.u32 v4, $0x1  }
0x1b: {  	v5 =	vadd.s32 v6, v3  }
0x1c: {  	s31 =	simm.s32 $0x20;
	vm0 =	veq.s32 v7, $0x1;
	vm1 =	vlt.s32 v5, $0x61BF  }
0x1d: {  	vm2 =	veq.s32 v3, $0x1;
	vm0 =	vmmov vm0;
	v8 =	vnsel vm1, $0x61BF, v5;
	v5 =	vld [tilespmem:s31+$0x0]  }
0x1e: {  	vm1 =	vmmov vm0;
	vm0 =	vmmov vm2;
	vm2 =	vge.u32 v9, v0;
	v9 =	vld.idx.msk [tilespmem:v10+s8+$0x0], $0xffff;
	_ =	sdelay $0x1  }
0x1f: {  	v11 =	vimm.f32 $0.0e+00;
	vm3 =	veq.s32 v7, $0x0;
	v6 =	vor.u32 s31, v1  }
0x20: {  	s12 =	simm.s32 $0x30;
	s11 =	simm.s32 $0x30;
	v7 =	vimm.f32 $0.0e+00;
	v12 =	vshll.u32 v6, $0x1;
	v10 =	vimm.f32 $0.0e+00  }
.LBB2_2:
0x21: {  	v13 =	vld [tilespmem:s12+$0x0];
	v12 =	vadd.s32 v12, v5;
	vm4 =	veq.s32 v5, $0x1;
	vm3 =	vmand vm2, vm3;
	v14 =	vmovc v4;
	v4 =	vmovc v6;
	s13 =	smov.u32 s11;
	p0 =	sne.s32 s11, $0x30D0  }
.Ltmp0:
0x22: {  	s11 =	sadd.s32 $0x10, s11;
	vm1 =	vmand vm2, vm1;
	v15 =	vmovc v9;
	vm5 =	vlt.s32 v12, $0x61BF;
	v6 =	vnsel vm3, $0x0, v9;
	v9 =	vld.idx.msk [tilespmem:v8+s8+$0x0], $0xffff;
	(pc) =	sbr.rel @p0 .LBB2_2-.Ltmp0, $4  }
0x23: {  	v8 =	vnsel vm5, $0x61BF, v12;
	v12 =	vnsel vm1, $0x0, v15;
	v10 =	vadd.f32 v6, v10  }
0x24: {  	v11 =	vadd.f32 v12, v11;
	v12 =	vsel vm1, $0x3F800000, v2;
	vm1 =	vmmov vm0  }
0x25: {  	v6 =	vor.u32 s13, v1;
	vm0 =	vmmov vm4;
	v7 =	vadd.f32 v12, v7  }
0x26: {  	s12 =	sadd.s32 $0x10, s12;
	vm2 =	vge.u32 v14, v0;
	vm3 =	veq.s32 v3, $0x0;
	v3 =	vmovc v5;
	v12 =	vshll.u32 v6, $0x1;
	v5 =	vmovc v13  }
0x27: {  	v12 =	vadd.s32 v12, v5  }
0x28: {  	vm4 =	vlt.s32 v12, $0x61BF  }
0x29: {  	v12 =	vnsel vm4, $0x61BF, v12  }
0x2a: {  	vm3 =	vmand vm2, vm3;
	vm1 =	vmand vm2, vm1  }
0x2b: {  	vm9 =	veq.s32 v5, $0x1;
	vm0 =	vmmov vm0;
	vm10 =	vge.u32 v4, v0  }
0x2c: {  	v8 =	vld.idx.msk [tilespmem:v8+s8+$0x0], $0xffff;
	vm11 =	veq.s32 v3, $0x0;
	vm13 =	vge.u32 v6, v0;
	vm14 =	veq.s32 v5, $0x0  }
0x2d: {  	v13 =	vnsel vm3, $0x0, v9;
	v55 =	vnsel vm1, $0x0, v9;
	v56 =	vsel vm1, $0x3F800000, v2  }
0x2e: {  	vm3 =	vmand vm10, vm11;
	vm0 =	vmand vm10, vm0;
	vm12 =	vmmov vm9;
	v3 =	vld.idx.msk [tilespmem:v12+s8+$0x0], $0xffff  }
0x2f: {  	v10 =	vadd.f32 v13, v10;
	v57 =	vadd.f32 v56, v7;
	vm1 =	vmmov vm12  }
0x30: {  	v9 =	vadd.f32 v55, v11;
	v60 =	vsel vm0, $0x3F800000, v2;
	vm1 =	vmand vm13, vm1  }
0x31: {  	v4 =	vadd.f32 v60, v57;
	v58 =	vnsel vm3, $0x0, v8;
	v8 =	vnsel vm0, $0x0, v8  }
0x32: {  	vm15 =	vmand vm13, vm14;
	v63 =	vsel vm1, $0x3F800000, v2;
	v59 =	vadd.f32 v8, v9  }
0x33: {  	v7 =	vadd.f32 v58, v10;
	v4 =	vadd.f32 v63, v4;
	v61 =	vnsel vm1, $0x0, v3  }
0x34: {  	v3 =	vnsel vm15, $0x0, v3;
	v62 =	vadd.f32 v61, v59  }
0x35: {  	s10 =	sadd.s32 $0x1, s10;
	[tilespmem:$0x9320] =	vst v4;
	v3 =	vadd.f32 v3, v7  }
0x36: {  	p0 =	sne.s32 s10, s6;
	[tilespmem:$0x9300] =	vst v62  }
.Ltmp1:
0x37: {  	[tilespmem:$0x9310] =	vst v3;
	(pc) =	sbr.rel @p0 .LBB2_1-.Ltmp1, $4  }
0x38: {  	[hbm4b:s5+s2] =	stream.linear.scatter [tilespmem:s9], [sflag:$0x1], $0x30, $0x38;
	[tilespmem:$0x9380] =	vst v63  }
0x39: {  	_ =	swait.ge [sflag:s7], $0x30  }
0x3a: {  	[sflag:s7] =	ssyncset.done $0x0  }
0x3b: {  	[sflag:s7] =	ssyncadd.s32 $0xFFFFFFD0  }
0x3c: {  	_ =	sfence.sel $0x180000  }
0x3d: {  	[bflag:$0x0] =	sbarrier.arrive $0xFFFF  }
0x3e: {  	p0 =	sne.s32 s0, $0x0;
	_ =	strace $0x90000047  }
0x3f: {  	s0 =	sadd.s32 @!p0 $0x100000, s1;
	[bflag:$0x2] =	sbarrier.arrive $0xFFFF  }
0x40: {  	[sflag:s0] =	ssyncadd.tile.s32 @!p0 $0x1;
	_ =	shalt  }
.Lfunc_end2:
_tile_overlayer_lowered:
.L_overlay_start_2:
0x41: {  	(tag) =	ssettag $0x2  }
0x42: {  	s0 =	rddreg [dreg:$0x0];
	s2 =	stileid.u32  }
0x43: {  	s1 =	rddreg [dreg:$0x1];
	p0 =	sne.s32 s2, $0x0  }
0x44: {  	s3 =	rddreg [dreg:$0x2];
	[bflag:$0x3] =	sbarrier.arrive $0xFFFF;
	s2 =	simm.s32 @!p0 $0x1C01  }
0x45: {  	[timem:s3], [sflag:s2] =	dma.local @!p0 [hbm:s0], s1  }
0x46: {  	s0 =	simm.s32 @!p0 $0x1  }
0x47: {  	_ =	swait.ge @!p0 [sflag:s0], s1  }
0x48: {  	s1 =	ssub.s32 @!p0 $0x0, s1;
	[sflag:s0] =	ssyncset.done @!p0 $0x0  }
0x49: {  	[sflag:s0] =	ssyncadd.s32 @!p0 s1  }
0x4a: {  	[bflag:$0x3] =	sbarrier.arrive $0xFFFF  }
0x4b: {  	_ =	shalt  }

</sc_bundles>
